<compile_context>
chip_gen: v7x
topology: tpu7x:2x2x1
jax: 0.10.2.dev20260603
libtpu: 0.0.44.dev20260713+nightly
codegen_flags: <defaults>
</compile_context>

<pallas_src>
import jax
import jax.numpy as jnp
from jax import lax
from jax.experimental import pallas as pl
from jax.experimental.pallas import tpu as pltpu
from jax.experimental.pallas import tpu_sc as plsc

N = 10000
D = 128
E = 320000

K = 128
NC = 2
NS = 16
NW = NC * NS
CH_AGG = 80
E_PAD = NW * CH_AGG * K
NP = 10240
RPT = NP // NS

_MESH = plsc.VectorSubcoreMesh(core_axis_name="c", subcore_axis_name="s")


def _zero_vmem_2d(ref, rows, width):
    z = jnp.zeros((16,), jnp.float32)

    def body(i, _):
        for k in range(width // 16):
            ref[i, pl.ds(16 * k, 16)] = z
        return 0

    lax.fori_loop(0, rows, body, 0)


def _fill_vmem_2d(ref, rows, width, value):
    v = jnp.full((16,), value, jnp.float32)

    def body(i, _):
        for k in range(width // 16):
            ref[i, pl.ds(16 * k, 16)] = v
        return 0

    lax.fori_loop(0, rows, body, 0)


DEG_EPS = 2.0 ** -12
DW = 16


def _deg_body(e_hbm, out_hbm, shared_deg, idx_v, val_v):
    c = lax.axis_index("c")
    s = lax.axis_index("s")
    w = c * NS + s
    r0 = s * RPT

    _zero_vmem_2d(val_v, K, DW)
    for q in range(RPT // K):
        pltpu.sync_copy(val_v, shared_deg.at[pl.ds(r0 + K * q, K)])
    plsc.subcore_barrier()

    pltpu.sync_copy(e_hbm.at[0, w], idx_v)
    _fill_vmem_2d(val_v, K, DW, 1.0)

    def body(j, _):
        pltpu.sync_copy(val_v, shared_deg.at[idx_v.at[j]], add=True)
        return 0

    lax.fori_loop(0, CH_AGG, body, 0)

    pltpu.sync_copy(e_hbm.at[1, w], idx_v)
    _fill_vmem_2d(val_v, K, DW, DEG_EPS)
    lax.fori_loop(0, CH_AGG, body, 0)
    plsc.subcore_barrier()

    pltpu.sync_copy(shared_deg.at[pl.ds(r0, RPT)], out_hbm.at[c, s])


def _deg_call(e_agg):
    return pl.kernel(
        _deg_body,
        out_type=jax.ShapeDtypeStruct((NC, NS, RPT, DW), jnp.float32),
        mesh=_MESH,
        scratch_types=[
            pltpu.VMEM_SHARED((NP, DW), jnp.float32),
            pltpu.VMEM((CH_AGG, K), jnp.int32),
            pltpu.VMEM((K, DW), jnp.float32),
        ],
    )(e_agg)


def _agg_body(x_hbm, e_hbm, out_hbm, shared_agg, idx_s, idx_d, rows_v, sem):
    c = lax.axis_index("c")
    s = lax.axis_index("s")
    w = c * NS + s
    r0 = s * RPT

    pltpu.sync_copy(e_hbm.at[0, w], idx_s)
    pltpu.sync_copy(e_hbm.at[1, w], idx_d)

    _zero_vmem_2d(rows_v, K, D)
    for q in range(RPT // K):
        pltpu.sync_copy(rows_v, shared_agg.at[pl.ds(r0 + K * q, K)])
    plsc.subcore_barrier()

    def body(j, _):
        pltpu.async_copy(x_hbm.at[idx_s.at[j]], rows_v, sem).wait()
        pltpu.sync_copy(rows_v, shared_agg.at[idx_d.at[j]], add=True)
        return 0

    lax.fori_loop(0, CH_AGG, body, 0)
    plsc.subcore_barrier()

    pltpu.sync_copy(shared_agg.at[pl.ds(r0, RPT)], out_hbm.at[c, s])


def _agg_call(x, e_agg):
    return pl.kernel(
        _agg_body,
        out_type=jax.ShapeDtypeStruct((NC, NS, RPT, D), jnp.float32),
        mesh=_MESH,
        scratch_types=[
            pltpu.VMEM_SHARED((NP, D), jnp.float32),
            pltpu.VMEM((CH_AGG, K), jnp.int32),
            pltpu.VMEM((CH_AGG, K), jnp.int32),
            pltpu.VMEM((K, D), jnp.float32),
            pltpu.SemaphoreType.DMA,
        ],
    )(x, e_agg)


def _pre_body(nf_ref, dp_ref, x1_ref, ds_ref, dd_ref):
    t = dp_ref[0] + dp_ref[1]
    dsrc = jnp.floor(t)
    ddst = (t - dsrc) * (1.0 / DEG_EPS)
    dinv_s = lax.rsqrt(jnp.maximum(dsrc, 1.0))
    dinv_d = lax.rsqrt(jnp.maximum(ddst, 1.0))
    ds_ref[...] = dinv_s
    dd_ref[...] = dinv_d
    x1_ref[pl.ds(0, N), :] = nf_ref[...] * dinv_s
    x1_ref[pl.ds(N, NP - N), :] = jnp.zeros((NP - N, D), jnp.float32)


def _pre_call(nodes_feat, deg_partials):
    return pl.pallas_call(
        _pre_body,
        out_shape=(
            jax.ShapeDtypeStruct((NP, D), jnp.float32),
            jax.ShapeDtypeStruct((N, 1), jnp.float32),
            jax.ShapeDtypeStruct((N, 1), jnp.float32),
        ),
    )(nodes_feat, deg_partials)


def _dense_common(p_ref, dd_ref, snorm_ref, w_ref, b_ref, g_ref, be_ref,
                  h_ref):
    agg = (p_ref[0] + p_ref[1]) * dd_ref[...]
    y = jnp.dot(agg, w_ref[...], preferred_element_type=jnp.float32)
    y = (y + b_ref[...]) * snorm_ref[...]
    mu = jnp.mean(y, axis=0, keepdims=True)
    yc = y - mu
    var = jnp.mean(yc * yc, axis=0, keepdims=True)
    yn = yc * lax.rsqrt(var + 1e-5) * g_ref[...] + be_ref[...]
    return h_ref[...] + jnp.maximum(yn, 0.0)


def _layer1_body(p_ref, dd_ref, snorm_ref, w_ref, b_ref, g_ref, be_ref,
                 h_ref, ds_ref, h1_ref, x2_ref):
    h1 = _dense_common(p_ref, dd_ref, snorm_ref, w_ref, b_ref, g_ref,
                       be_ref, h_ref)
    h1_ref[...] = h1
    x2_ref[pl.ds(0, N), :] = h1 * ds_ref[...]
    x2_ref[pl.ds(N, NP - N), :] = jnp.zeros((NP - N, D), jnp.float32)


def _layer1_call(p, dinv_dst, snorm, w, b, g, be, h_in, dinv_src):
    return pl.pallas_call(
        _layer1_body,
        out_shape=(
            jax.ShapeDtypeStruct((N, D), jnp.float32),
            jax.ShapeDtypeStruct((NP, D), jnp.float32),
        ),
    )(p, dinv_dst, snorm, w, b, g, be, h_in, dinv_src)


def _layer2_body(p_ref, dd_ref, snorm_ref, w_ref, b_ref, g_ref, be_ref,
                 h_ref, hg_ref):
    h2 = _dense_common(p_ref, dd_ref, snorm_ref, w_ref, b_ref, g_ref,
                       be_ref, h_ref)
    hg_ref[...] = jnp.mean(h2, axis=0, keepdims=True)


def _layer2_call(p, dinv_dst, snorm, w, b, g, be, h_in):
    return pl.pallas_call(
        _layer2_body,
        out_shape=jax.ShapeDtypeStruct((1, D), jnp.float32),
    )(p, dinv_dst, snorm, w, b, g, be, h_in)


def kernel(edge_index, nodes_feat, edges_feat, nodes_num_norm_sqrt,
           edges_num_norm_sqrt, W1, b1, gamma1, beta1, W2, b2, gamma2, beta2):
    del edges_feat, edges_num_norm_sqrt
    ei = edge_index.astype(jnp.int32)
    padv = N + (jnp.arange(E_PAD - E, dtype=jnp.int32) % (NP - N))
    e_all = jnp.concatenate([ei, jnp.broadcast_to(padv, (2, E_PAD - E))], axis=1)
    e_agg = e_all.reshape(2, NW, CH_AGG, K)

    deg_p = _deg_call(e_agg).reshape(NC, NP, DW)[:, :N, 0:1]

    b1r, g1r, be1r = b1.reshape(1, D), gamma1.reshape(1, D), beta1.reshape(1, D)
    b2r, g2r, be2r = b2.reshape(1, D), gamma2.reshape(1, D), beta2.reshape(1, D)
    snorm = nodes_num_norm_sqrt

    x1, dinv_s, dinv_d = _pre_call(nodes_feat, deg_p)
    p1 = _agg_call(x1, e_agg).reshape(2, NP, D)[:, :N]
    h1, x2 = _layer1_call(p1, dinv_d, snorm, W1, b1r, g1r, be1r,
                          nodes_feat, dinv_s)
    p2 = _agg_call(x2, e_agg).reshape(2, NP, D)[:, :N]
    hg = _layer2_call(p2, dinv_d, snorm, W2, b2r, g2r, be2r, h1)
    return hg

# --- scband reference (transcript-rebuilt; emitter-appended) ---
"""Pipeline reference for scband-gcnnet1-68513318305979 (READ-ONLY COPY).

The authoritative reference and input builder live on the scoring server;
editing this copy changes nothing except your own understanding.
"""

import jax, jax.numpy as jnp
import numpy as np

N = 10000
E = 320000
D = 128

def setup_inputs(seed: int = 0):
    key = jax.random.key(seed)
    ks = jax.random.split(key, 16)
    inp = {}
    inp["edge_index"] = jax.random.randint(ks[0], (2, E), 0, N)
    inp["nodes_feat"] = jax.random.normal(ks[1], (N, D), dtype=jnp.float32)
    inp["edges_feat"] = jax.random.normal(ks[2], (E, 4), dtype=jnp.float32)
    inp["nodes_num_norm_sqrt"] = jax.random.uniform(ks[3], (N, 1), dtype=jnp.float32)
    inp["edges_num_norm_sqrt"] = jax.random.uniform(ks[4], (E, 1), dtype=jnp.float32)
    for i in range(2):
        inp[f"W{i+1}"] = jax.random.normal(ks[5 + 2 * i], (D, D), dtype=jnp.float32) * (1.0 / np.sqrt(D))
        inp[f"b{i+1}"] = jnp.zeros((D,), jnp.float32)
        inp[f"gamma{i+1}"] = jnp.ones((D,), jnp.float32)
        inp[f"beta{i+1}"] = jnp.zeros((D,), jnp.float32)
    return inp


def _gcn_layer(h, src, dst, snorm, W, b, gamma, beta):
    # DGL GraphConv(norm='both'): D_out^{-1/2} aggregation D_in^{-1/2}, then linear.
    n = h.shape[0]
    ones_e = jnp.ones((src.shape[0],), h.dtype)
    deg_out = jnp.clip(jnp.zeros((n,), h.dtype).at[src].add(ones_e), 1.0, None)
    deg_in = jnp.clip(jnp.zeros((n,), h.dtype).at[dst].add(ones_e), 1.0, None)
    h_in = h
    x = h * (deg_out ** -0.5)[:, None]
    agg = jnp.zeros_like(x).at[dst].add(x[src])
    x = agg * (deg_in ** -0.5)[:, None]
    x = x @ W + b
    # graph size normalization
    x = x * snorm
    # batch norm (training-mode batch statistics)
    mu = x.mean(axis=0)
    var = x.var(axis=0)
    x = (x - mu) / jnp.sqrt(var + 1e-5) * gamma + beta
    x = jax.nn.relu(x)
    # residual (in_dim == out_dim), dropout p=0.0 is identity
    return h_in + x


def reference(edge_index, nodes_feat, edges_feat, nodes_num_norm_sqrt, edges_num_norm_sqrt, W1, b1, gamma1, beta1, W2, b2, gamma2, beta2):
    src = edge_index[0]
    dst = edge_index[1]
    h = _gcn_layer(nodes_feat, src, dst, nodes_num_norm_sqrt, W1, b1, gamma1, beta1)
    h = _gcn_layer(h, src, dst, nodes_num_norm_sqrt, W2, b2, gamma2, beta2)
    # dgl.mean_nodes over a single (batch=1) graph
    hg = jnp.mean(h, axis=0, keepdims=True)
    return hg

if __name__ == "__main__":
    import jax
    _d = setup_inputs()
    print(jax.jit(kernel)(*tuple(_d.values())))

</pallas_src>

<mosaic_0001>
#map = affine_map<(d0, d1) -> (0, 0, 0, 0)>
module attributes {stable_mosaic.version = 14 : i64} {
  func.func @_deg_body(%arg0: i32, %arg1: i32, %arg2: memref<2x32x80x128xi32, #tpu.memory_space<hbm>>, %arg3: memref<2x16x640x16xf32, #tpu.memory_space<hbm>>, %arg4: memref<10240x16xf32, #tpu.memory_space<vmem_shared>>, %arg5: memref<80x128xi32, #tpu.memory_space<vmem>>, %arg6: memref<128x16xf32, #tpu.memory_space<vmem>>) attributes {dimension_semantics = [#tpu.dimension_semantics<core_parallel>, #tpu.dimension_semantics<subcore_parallel>], iteration_bounds = array<i64: 2, 16>, scalar_prefetch = 0 : i64, scratch_operands = 3 : i64, tpu.core_type = #tpu.core_type<sc_vector_subcore>, window_params = [{transform_indices = #map}, {transform_indices = #map}]} {
    %mul3A = arith.constant 16 : i32
    %mul3A_0 = arith.muli %arg0, %mul3A : i32
    %add3A = arith.addi %mul3A_0, %arg1 : i32
    %mul3A_1 = arith.constant 640 : i32
    %mul3A_2 = arith.muli %arg1, %mul3A_1 : i32
    %broadcast_in_dim3A = arith.constant 0.000000e+00 : f32
    %broadcast_in_dim3A_3 = vector.broadcast %broadcast_in_dim3A : f32 to vector<16xf32>
    %scan3A = arith.constant 0 : i32
    %scan3A_4 = arith.constant 0 : i32
    %scan3A_5 = arith.constant 128 : i32
    %scan3A_6 = arith.addi %scan3A_4, %scan3A_5 : i32
    %scan3A_7 = arith.constant 1 : i32
    %scan3A_8 = scf.for %scan3A_54 = %scan3A_4 to %scan3A_6 step %scan3A_7 iter_args(%scan3A_55 = %scan3A) -> (i32)  : i32 {
      %swap3A = arith.index_cast %scan3A_54 : i32 to index
      %swap3A_56 = arith.constant 0 : index
      %swap3A_57 = tpu.vector_load %arg6[%swap3A, %swap3A_56] {strides = array<i32>} : memref<128x16xf32, #tpu.memory_space<vmem>>, vector<1x16xf32>,
      %swap3A_58 = vector.shape_cast %swap3A_57 : vector<1x16xf32> to vector<16xf32>
      %swap3A_59 = vector.shape_cast %broadcast_in_dim3A_3 : vector<16xf32> to vector<1x16xf32>
      tpu.vector_store %arg6[%swap3A, %swap3A_56], %swap3A_59 {strides = array<i32>} : memref<128x16xf32, #tpu.memory_space<vmem>>, vector<1x16xf32>,
      %scan3A_60 = arith.constant 0 : i32
      scf.yield %scan3A_60 : i32
    }
    %scan3A_9 = arith.constant 128 : i32
    %add3A_10 = arith.constant 0 : i32
    %add3A_11 = arith.addi %mul3A_2, %add3A_10 : i32
    "tpu.region"() ({
      %run_scoped3A_54 = tpu.sem_alloc : memref<!tpu.dma_semaphore, #tpu.memory_space<semaphore_mem>>
      %dma_start3A = arith.constant 0 : i32
      %dma_start3A_55 = tpu.memref_slice %arg4[%add3A_11, %dma_start3A] : memref<10240x16xf32, #tpu.memory_space<vmem_shared>> -> memref<128x16xf32, #tpu.memory_space<vmem_shared>>
      %dma_start3A_56 = arith.constant 0 : i32
      %dma_start3A_57 = tpu.memref_slice %arg4[%add3A_11, %dma_start3A_56] : memref<10240x16xf32, #tpu.memory_space<vmem_shared>> -> memref<128x16xf32, #tpu.memory_space<vmem_shared>>
      tpu.enqueue_dma source(%arg6 : memref<128x16xf32, #tpu.memory_space<vmem>>) target(%dma_start3A_57 : memref<128x16xf32, #tpu.memory_space<vmem_shared>>) target_semaphore(%run_scoped3A_54 : memref<!tpu.dma_semaphore, #tpu.memory_space<semaphore_mem>>)
      %dma_wait3A = arith.constant 0 : i32
      %dma_wait3A_58 = tpu.memref_slice %arg4[%add3A_11, %dma_wait3A] : memref<10240x16xf32, #tpu.memory_space<vmem_shared>> -> memref<128x16xf32, #tpu.memory_space<vmem_shared>>
      %dma_wait3A_59 = arith.constant 0 : i32
      %dma_wait3A_60 = tpu.memref_slice %arg4[%add3A_11, %dma_wait3A_59] : memref<10240x16xf32, #tpu.memory_space<vmem_shared>> -> memref<128x16xf32, #tpu.memory_space<vmem_shared>>
      tpu.wait_dma2 semaphore(%run_scoped3A_54 : memref<!tpu.dma_semaphore, #tpu.memory_space<semaphore_mem>>) src(%arg6 : memref<128x16xf32, #tpu.memory_space<vmem>>) dst(%dma_wait3A_60 : memref<128x16xf32, #tpu.memory_space<vmem_shared>>)
      tpu.yield
    }) : () -> ()
    %add3A_12 = arith.constant 128 : i32
    %add3A_13 = arith.addi %mul3A_2, %add3A_12 : i32
    "tpu.region"() ({
      %run_scoped3A_54 = tpu.sem_alloc : memref<!tpu.dma_semaphore, #tpu.memory_space<semaphore_mem>>
      %dma_start3A = arith.constant 0 : i32
      %dma_start3A_55 = tpu.memref_slice %arg4[%add3A_13, %dma_start3A] : memref<10240x16xf32, #tpu.memory_space<vmem_shared>> -> memref<128x16xf32, #tpu.memory_space<vmem_shared>>
      %dma_start3A_56 = arith.constant 0 : i32
      %dma_start3A_57 = tpu.memref_slice %arg4[%add3A_13, %dma_start3A_56] : memref<10240x16xf32, #tpu.memory_space<vmem_shared>> -> memref<128x16xf32, #tpu.memory_space<vmem_shared>>
      tpu.enqueue_dma source(%arg6 : memref<128x16xf32, #tpu.memory_space<vmem>>) target(%dma_start3A_57 : memref<128x16xf32, #tpu.memory_space<vmem_shared>>) target_semaphore(%run_scoped3A_54 : memref<!tpu.dma_semaphore, #tpu.memory_space<semaphore_mem>>)
      %dma_wait3A = arith.constant 0 : i32
      %dma_wait3A_58 = tpu.memref_slice %arg4[%add3A_13, %dma_wait3A] : memref<10240x16xf32, #tpu.memory_space<vmem_shared>> -> memref<128x16xf32, #tpu.memory_space<vmem_shared>>
      %dma_wait3A_59 = arith.constant 0 : i32
      %dma_wait3A_60 = tpu.memref_slice %arg4[%add3A_13, %dma_wait3A_59] : memref<10240x16xf32, #tpu.memory_space<vmem_shared>> -> memref<128x16xf32, #tpu.memory_space<vmem_shared>>
      tpu.wait_dma2 semaphore(%run_scoped3A_54 : memref<!tpu.dma_semaphore, #tpu.memory_space<semaphore_mem>>) src(%arg6 : memref<128x16xf32, #tpu.memory_space<vmem>>) dst(%dma_wait3A_60 : memref<128x16xf32, #tpu.memory_space<vmem_shared>>)
      tpu.yield
    }) : () -> ()
    %add3A_14 = arith.constant 256 : i32
    %add3A_15 = arith.addi %mul3A_2, %add3A_14 : i32
    "tpu.region"() ({
      %run_scoped3A_54 = tpu.sem_alloc : memref<!tpu.dma_semaphore, #tpu.memory_space<semaphore_mem>>
      %dma_start3A = arith.constant 0 : i32
      %dma_start3A_55 = tpu.memref_slice %arg4[%add3A_15, %dma_start3A] : memref<10240x16xf32, #tpu.memory_space<vmem_shared>> -> memref<128x16xf32, #tpu.memory_space<vmem_shared>>
      %dma_start3A_56 = arith.constant 0 : i32
      %dma_start3A_57 = tpu.memref_slice %arg4[%add3A_15, %dma_start3A_56] : memref<10240x16xf32, #tpu.memory_space<vmem_shared>> -> memref<128x16xf32, #tpu.memory_space<vmem_shared>>
      tpu.enqueue_dma source(%arg6 : memref<128x16xf32, #tpu.memory_space<vmem>>) target(%dma_start3A_57 : memref<128x16xf32, #tpu.memory_space<vmem_shared>>) target_semaphore(%run_scoped3A_54 : memref<!tpu.dma_semaphore, #tpu.memory_space<semaphore_mem>>)
      %dma_wait3A = arith.constant 0 : i32
      %dma_wait3A_58 = tpu.memref_slice %arg4[%add3A_15, %dma_wait3A] : memref<10240x16xf32, #tpu.memory_space<vmem_shared>> -> memref<128x16xf32, #tpu.memory_space<vmem_shared>>
      %dma_wait3A_59 = arith.constant 0 : i32
      %dma_wait3A_60 = tpu.memref_slice %arg4[%add3A_15, %dma_wait3A_59] : memref<10240x16xf32, #tpu.memory_space<vmem_shared>> -> memref<128x16xf32, #tpu.memory_space<vmem_shared>>
      tpu.wait_dma2 semaphore(%run_scoped3A_54 : memref<!tpu.dma_semaphore, #tpu.memory_space<semaphore_mem>>) src(%arg6 : memref<128x16xf32, #tpu.memory_space<vmem>>) dst(%dma_wait3A_60 : memref<128x16xf32, #tpu.memory_space<vmem_shared>>)
      tpu.yield
    }) : () -> ()
    %add3A_16 = arith.constant 384 : i32
    %add3A_17 = arith.addi %mul3A_2, %add3A_16 : i32
    "tpu.region"() ({
      %run_scoped3A_54 = tpu.sem_alloc : memref<!tpu.dma_semaphore, #tpu.memory_space<semaphore_mem>>
      %dma_start3A = arith.constant 0 : i32
      %dma_start3A_55 = tpu.memref_slice %arg4[%add3A_17, %dma_start3A] : memref<10240x16xf32, #tpu.memory_space<vmem_shared>> -> memref<128x16xf32, #tpu.memory_space<vmem_shared>>
      %dma_start3A_56 = arith.constant 0 : i32
      %dma_start3A_57 = tpu.memref_slice %arg4[%add3A_17, %dma_start3A_56] : memref<10240x16xf32, #tpu.memory_space<vmem_shared>> -> memref<128x16xf32, #tpu.memory_space<vmem_shared>>
      tpu.enqueue_dma source(%arg6 : memref<128x16xf32, #tpu.memory_space<vmem>>) target(%dma_start3A_57 : memref<128x16xf32, #tpu.memory_space<vmem_shared>>) target_semaphore(%run_scoped3A_54 : memref<!tpu.dma_semaphore, #tpu.memory_space<semaphore_mem>>)
      %dma_wait3A = arith.constant 0 : i32
      %dma_wait3A_58 = tpu.memref_slice %arg4[%add3A_17, %dma_wait3A] : memref<10240x16xf32, #tpu.memory_space<vmem_shared>> -> memref<128x16xf32, #tpu.memory_space<vmem_shared>>
      %dma_wait3A_59 = arith.constant 0 : i32
      %dma_wait3A_60 = tpu.memref_slice %arg4[%add3A_17, %dma_wait3A_59] : memref<10240x16xf32, #tpu.memory_space<vmem_shared>> -> memref<128x16xf32, #tpu.memory_space<vmem_shared>>
      tpu.wait_dma2 semaphore(%run_scoped3A_54 : memref<!tpu.dma_semaphore, #tpu.memory_space<semaphore_mem>>) src(%arg6 : memref<128x16xf32, #tpu.memory_space<vmem>>) dst(%dma_wait3A_60 : memref<128x16xf32, #tpu.memory_space<vmem_shared>>)
      tpu.yield
    }) : () -> ()
    %add3A_18 = arith.constant 512 : i32
    %add3A_19 = arith.addi %mul3A_2, %add3A_18 : i32
    "tpu.region"() ({
      %run_scoped3A_54 = tpu.sem_alloc : memref<!tpu.dma_semaphore, #tpu.memory_space<semaphore_mem>>
      %dma_start3A = arith.constant 0 : i32
      %dma_start3A_55 = tpu.memref_slice %arg4[%add3A_19, %dma_start3A] : memref<10240x16xf32, #tpu.memory_space<vmem_shared>> -> memref<128x16xf32, #tpu.memory_space<vmem_shared>>
      %dma_start3A_56 = arith.constant 0 : i32
      %dma_start3A_57 = tpu.memref_slice %arg4[%add3A_19, %dma_start3A_56] : memref<10240x16xf32, #tpu.memory_space<vmem_shared>> -> memref<128x16xf32, #tpu.memory_space<vmem_shared>>
      tpu.enqueue_dma source(%arg6 : memref<128x16xf32, #tpu.memory_space<vmem>>) target(%dma_start3A_57 : memref<128x16xf32, #tpu.memory_space<vmem_shared>>) target_semaphore(%run_scoped3A_54 : memref<!tpu.dma_semaphore, #tpu.memory_space<semaphore_mem>>)
      %dma_wait3A = arith.constant 0 : i32
      %dma_wait3A_58 = tpu.memref_slice %arg4[%add3A_19, %dma_wait3A] : memref<10240x16xf32, #tpu.memory_space<vmem_shared>> -> memref<128x16xf32, #tpu.memory_space<vmem_shared>>
      %dma_wait3A_59 = arith.constant 0 : i32
      %dma_wait3A_60 = tpu.memref_slice %arg4[%add3A_19, %dma_wait3A_59] : memref<10240x16xf32, #tpu.memory_space<vmem_shared>> -> memref<128x16xf32, #tpu.memory_space<vmem_shared>>
      tpu.wait_dma2 semaphore(%run_scoped3A_54 : memref<!tpu.dma_semaphore, #tpu.memory_space<semaphore_mem>>) src(%arg6 : memref<128x16xf32, #tpu.memory_space<vmem>>) dst(%dma_wait3A_60 : memref<128x16xf32, #tpu.memory_space<vmem_shared>>)
      tpu.yield
    }) : () -> ()
    %barrier3A = arith.constant 0 : index
    tpu.barrier barrier_id(%barrier3A)
    %run_scoped3A = arith.constant 0 : i32
    "tpu.region"() ({
      %run_scoped3A_54 = tpu.sem_alloc : memref<!tpu.dma_semaphore, #tpu.memory_space<semaphore_mem>>
      %dma_start3A = arith.constant 0 : i32
      %dma_start3A_55 = arith.constant 0 : i32
      %dma_start3A_56 = tpu.memref_slice %arg2[%run_scoped3A, %add3A, %dma_start3A, %dma_start3A_55] : memref<2x32x80x128xi32, #tpu.memory_space<hbm>> -> memref<1x1x80x128xi32, #tpu.memory_space<hbm>>
      %dma_start3A_57 = tpu.memref_squeeze %dma_start3A_56 : memref<1x1x80x128xi32, #tpu.memory_space<hbm>> -> memref<80x128xi32, #tpu.memory_space<hbm>>
      %dma_start3A_58 = arith.constant 0 : i32
      %dma_start3A_59 = arith.constant 0 : i32
      %dma_start3A_60 = tpu.memref_slice %arg2[%run_scoped3A, %add3A, %dma_start3A_58, %dma_start3A_59] : memref<2x32x80x128xi32, #tpu.memory_space<hbm>> -> memref<1x1x80x128xi32, #tpu.memory_space<hbm>>
      %dma_start3A_61 = tpu.memref_squeeze %dma_start3A_60 : memref<1x1x80x128xi32, #tpu.memory_space<hbm>> -> memref<80x128xi32, #tpu.memory_space<hbm>>
      tpu.enqueue_dma source(%dma_start3A_61 : memref<80x128xi32, #tpu.memory_space<hbm>>) target(%arg5 : memref<80x128xi32, #tpu.memory_space<vmem>>) target_semaphore(%run_scoped3A_54 : memref<!tpu.dma_semaphore, #tpu.memory_space<semaphore_mem>>)
      %dma_wait3A = arith.constant 0 : i32
      %dma_wait3A_62 = arith.constant 0 : i32
      %dma_wait3A_63 = tpu.memref_slice %arg2[%run_scoped3A, %add3A, %dma_wait3A, %dma_wait3A_62] : memref<2x32x80x128xi32, #tpu.memory_space<hbm>> -> memref<1x1x80x128xi32, #tpu.memory_space<hbm>>
      %dma_wait3A_64 = tpu.memref_squeeze %dma_wait3A_63 : memref<1x1x80x128xi32, #tpu.memory_space<hbm>> -> memref<80x128xi32, #tpu.memory_space<hbm>>
      %dma_wait3A_65 = arith.constant 0 : i32
      %dma_wait3A_66 = arith.constant 0 : i32
      %dma_wait3A_67 = tpu.memref_slice %arg2[%run_scoped3A, %add3A, %dma_wait3A_65, %dma_wait3A_66] : memref<2x32x80x128xi32, #tpu.memory_space<hbm>> -> memref<1x1x80x128xi32, #tpu.memory_space<hbm>>
      %dma_wait3A_68 = tpu.memref_squeeze %dma_wait3A_67 : memref<1x1x80x128xi32, #tpu.memory_space<hbm>> -> memref<80x128xi32, #tpu.memory_space<hbm>>
      tpu.wait_dma2 semaphore(%run_scoped3A_54 : memref<!tpu.dma_semaphore, #tpu.memory_space<semaphore_mem>>) src(%dma_wait3A_68 : memref<80x128xi32, #tpu.memory_space<hbm>>) dst(%arg5 : memref<80x128xi32, #tpu.memory_space<vmem>>)
      tpu.yield
    }) : () -> ()
    %broadcast_in_dim3A_20 = arith.constant 1.000000e+00 : f32
    %broadcast_in_dim3A_21 = vector.broadcast %broadcast_in_dim3A_20 : f32 to vector<16xf32>
    %scan3A_22 = arith.constant 0 : i32
    %scan3A_23 = arith.constant 0 : i32
    %scan3A_24 = arith.constant 128 : i32
    %scan3A_25 = arith.addi %scan3A_23, %scan3A_24 : i32
    %scan3A_26 = arith.constant 1 : i32
    %scan3A_27 = scf.for %scan3A_54 = %scan3A_23 to %scan3A_25 step %scan3A_26 iter_args(%scan3A_55 = %scan3A_22) -> (i32)  : i32 {
      %swap3A = arith.index_cast %scan3A_54 : i32 to index
      %swap3A_56 = arith.constant 0 : index
      %swap3A_57 = tpu.vector_load %arg6[%swap3A, %swap3A_56] {strides = array<i32>} : memref<128x16xf32, #tpu.memory_space<vmem>>, vector<1x16xf32>,
      %swap3A_58 = vector.shape_cast %swap3A_57 : vector<1x16xf32> to vector<16xf32>
      %swap3A_59 = vector.shape_cast %broadcast_in_dim3A_21 : vector<16xf32> to vector<1x16xf32>
      tpu.vector_store %arg6[%swap3A, %swap3A_56], %swap3A_59 {strides = array<i32>} : memref<128x16xf32, #tpu.memory_space<vmem>>, vector<1x16xf32>,
      %scan3A_60 = arith.constant 0 : i32
      scf.yield %scan3A_60 : i32
    }
    %scan3A_28 = arith.constant 128 : i32
    %scan3A_29 = arith.constant 0 : i32
    %scan3A_30 = arith.constant 0 : i32
    %scan3A_31 = arith.constant 80 : i32
    %scan3A_32 = arith.addi %scan3A_30, %scan3A_31 : i32
    %scan3A_33 = arith.constant 1 : i32
    %scan3A_34 = scf.for %scan3A_54 = %scan3A_30 to %scan3A_32 step %scan3A_33 iter_args(%scan3A_55 = %scan3A_29) -> (i32)  : i32 {
      "tpu.region"() ({
        %run_scoped3A_57 = tpu.sem_alloc : memref<!tpu.dma_semaphore, #tpu.memory_space<semaphore_mem>>
        %dma_start3A = arith.constant 0 : i32
        %dma_start3A_58 = tpu.memref_slice %arg5[%scan3A_54, %dma_start3A] : memref<80x128xi32, #tpu.memory_space<vmem>> -> memref<1x128xi32, #tpu.memory_space<vmem>>
        %dma_start3A_59 = tpu.memref_squeeze %dma_start3A_58 : memref<1x128xi32, #tpu.memory_space<vmem>> -> memref<128xi32, #tpu.memory_space<vmem>>
        %dma_start3A_60 = arith.constant 0 : i32
        %dma_start3A_61 = arith.constant 0 : i32
        %dma_start3A_62 = tpu.memref_slice %arg4[%dma_start3A_60, %dma_start3A_61] : memref<10240x16xf32, #tpu.memory_space<vmem_shared>> -> memref<10240x16xf32, #tpu.memory_space<vmem_shared>>
        tpu.enqueue_indirect_dma source(%arg6 : memref<128x16xf32, #tpu.memory_space<vmem>>) target(%dma_start3A_62 : memref<10240x16xf32, #tpu.memory_space<vmem_shared>>) offsets(%dma_start3A_59 : memref<128xi32, #tpu.memory_space<vmem>>) semaphore(%run_scoped3A_57 : memref<!tpu.dma_semaphore, #tpu.memory_space<semaphore_mem>>) {add = true}
        %dma_wait3A = arith.constant 0 : i32
        %dma_wait3A_63 = tpu.memref_slice %arg5[%scan3A_54, %dma_wait3A] : memref<80x128xi32, #tpu.memory_space<vmem>> -> memref<1x128xi32, #tpu.memory_space<vmem>>
        %dma_wait3A_64 = tpu.memref_squeeze %dma_wait3A_63 : memref<1x128xi32, #tpu.memory_space<vmem>> -> memref<128xi32, #tpu.memory_space<vmem>>
        %dma_wait3A_65 = arith.constant 0 : i32
        %dma_wait3A_66 = arith.constant 0 : i32
        %dma_wait3A_67 = tpu.memref_slice %arg4[%dma_wait3A_65, %dma_wait3A_66] : memref<10240x16xf32, #tpu.memory_space<vmem_shared>> -> memref<10240x16xf32, #tpu.memory_space<vmem_shared>>
        tpu.wait_indirect_dma semaphore(%run_scoped3A_57 : memref<!tpu.dma_semaphore, #tpu.memory_space<semaphore_mem>>) src(%arg6 : memref<128x16xf32, #tpu.memory_space<vmem>>) dst(%dma_wait3A_67 : memref<10240x16xf32, #tpu.memory_space<vmem_shared>>)
        tpu.yield
      }) : () -> ()
      %scan3A_56 = arith.constant 0 : i32
      scf.yield %scan3A_56 : i32
    }
    %scan3A_35 = arith.constant 80 : i32
    %run_scoped3A_36 = arith.constant 1 : i32
    "tpu.region"() ({
      %run_scoped3A_54 = tpu.sem_alloc : memref<!tpu.dma_semaphore, #tpu.memory_space<semaphore_mem>>
      %dma_start3A = arith.constant 0 : i32
      %dma_start3A_55 = arith.constant 0 : i32
      %dma_start3A_56 = tpu.memref_slice %arg2[%run_scoped3A_36, %add3A, %dma_start3A, %dma_start3A_55] : memref<2x32x80x128xi32, #tpu.memory_space<hbm>> -> memref<1x1x80x128xi32, #tpu.memory_space<hbm>>
      %dma_start3A_57 = tpu.memref_squeeze %dma_start3A_56 : memref<1x1x80x128xi32, #tpu.memory_space<hbm>> -> memref<80x128xi32, #tpu.memory_space<hbm>>
      %dma_start3A_58 = arith.constant 0 : i32
      %dma_start3A_59 = arith.constant 0 : i32
      %dma_start3A_60 = tpu.memref_slice %arg2[%run_scoped3A_36, %add3A, %dma_start3A_58, %dma_start3A_59] : memref<2x32x80x128xi32, #tpu.memory_space<hbm>> -> memref<1x1x80x128xi32, #tpu.memory_space<hbm>>
      %dma_start3A_61 = tpu.memref_squeeze %dma_start3A_60 : memref<1x1x80x128xi32, #tpu.memory_space<hbm>> -> memref<80x128xi32, #tpu.memory_space<hbm>>
      tpu.enqueue_dma source(%dma_start3A_61 : memref<80x128xi32, #tpu.memory_space<hbm>>) target(%arg5 : memref<80x128xi32, #tpu.memory_space<vmem>>) target_semaphore(%run_scoped3A_54 : memref<!tpu.dma_semaphore, #tpu.memory_space<semaphore_mem>>)
      %dma_wait3A = arith.constant 0 : i32
      %dma_wait3A_62 = arith.constant 0 : i32
      %dma_wait3A_63 = tpu.memref_slice %arg2[%run_scoped3A_36, %add3A, %dma_wait3A, %dma_wait3A_62] : memref<2x32x80x128xi32, #tpu.memory_space<hbm>> -> memref<1x1x80x128xi32, #tpu.memory_space<hbm>>
      %dma_wait3A_64 = tpu.memref_squeeze %dma_wait3A_63 : memref<1x1x80x128xi32, #tpu.memory_space<hbm>> -> memref<80x128xi32, #tpu.memory_space<hbm>>
      %dma_wait3A_65 = arith.constant 0 : i32
      %dma_wait3A_66 = arith.constant 0 : i32
      %dma_wait3A_67 = tpu.memref_slice %arg2[%run_scoped3A_36, %add3A, %dma_wait3A_65, %dma_wait3A_66] : memref<2x32x80x128xi32, #tpu.memory_space<hbm>> -> memref<1x1x80x128xi32, #tpu.memory_space<hbm>>
      %dma_wait3A_68 = tpu.memref_squeeze %dma_wait3A_67 : memref<1x1x80x128xi32, #tpu.memory_space<hbm>> -> memref<80x128xi32, #tpu.memory_space<hbm>>
      tpu.wait_dma2 semaphore(%run_scoped3A_54 : memref<!tpu.dma_semaphore, #tpu.memory_space<semaphore_mem>>) src(%dma_wait3A_68 : memref<80x128xi32, #tpu.memory_space<hbm>>) dst(%arg5 : memref<80x128xi32, #tpu.memory_space<vmem>>)
      tpu.yield
    }) : () -> ()
    %broadcast_in_dim3A_37 = arith.constant 2.44140625E-4 : f32
    %broadcast_in_dim3A_38 = vector.broadcast %broadcast_in_dim3A_37 : f32 to vector<16xf32>
    %scan3A_39 = arith.constant 0 : i32
    %scan3A_40 = arith.constant 0 : i32
    %scan3A_41 = arith.constant 128 : i32
    %scan3A_42 = arith.addi %scan3A_40, %scan3A_41 : i32
    %scan3A_43 = arith.constant 1 : i32
    %scan3A_44 = scf.for %scan3A_54 = %scan3A_40 to %scan3A_42 step %scan3A_43 iter_args(%scan3A_55 = %scan3A_39) -> (i32)  : i32 {
      %swap3A = arith.index_cast %scan3A_54 : i32 to index
      %swap3A_56 = arith.constant 0 : index
      %swap3A_57 = tpu.vector_load %arg6[%swap3A, %swap3A_56] {strides = array<i32>} : memref<128x16xf32, #tpu.memory_space<vmem>>, vector<1x16xf32>,
      %swap3A_58 = vector.shape_cast %swap3A_57 : vector<1x16xf32> to vector<16xf32>
      %swap3A_59 = vector.shape_cast %broadcast_in_dim3A_38 : vector<16xf32> to vector<1x16xf32>
      tpu.vector_store %arg6[%swap3A, %swap3A_56], %swap3A_59 {strides = array<i32>} : memref<128x16xf32, #tpu.memory_space<vmem>>, vector<1x16xf32>,
      %scan3A_60 = arith.constant 0 : i32
      scf.yield %scan3A_60 : i32
    }
    %scan3A_45 = arith.constant 128 : i32
    %scan3A_46 = arith.constant 0 : i32
    %scan3A_47 = arith.constant 0 : i32
    %scan3A_48 = arith.constant 80 : i32
    %scan3A_49 = arith.addi %scan3A_47, %scan3A_48 : i32
    %scan3A_50 = arith.constant 1 : i32
    %scan3A_51 = scf.for %scan3A_54 = %scan3A_47 to %scan3A_49 step %scan3A_50 iter_args(%scan3A_55 = %scan3A_46) -> (i32)  : i32 {
      "tpu.region"() ({
        %run_scoped3A_57 = tpu.sem_alloc : memref<!tpu.dma_semaphore, #tpu.memory_space<semaphore_mem>>
        %dma_start3A = arith.constant 0 : i32
        %dma_start3A_58 = tpu.memref_slice %arg5[%scan3A_54, %dma_start3A] : memref<80x128xi32, #tpu.memory_space<vmem>> -> memref<1x128xi32, #tpu.memory_space<vmem>>
        %dma_start3A_59 = tpu.memref_squeeze %dma_start3A_58 : memref<1x128xi32, #tpu.memory_space<vmem>> -> memref<128xi32, #tpu.memory_space<vmem>>
        %dma_start3A_60 = arith.constant 0 : i32
        %dma_start3A_61 = arith.constant 0 : i32
        %dma_start3A_62 = tpu.memref_slice %arg4[%dma_start3A_60, %dma_start3A_61] : memref<10240x16xf32, #tpu.memory_space<vmem_shared>> -> memref<10240x16xf32, #tpu.memory_space<vmem_shared>>
        tpu.enqueue_indirect_dma source(%arg6 : memref<128x16xf32, #tpu.memory_space<vmem>>) target(%dma_start3A_62 : memref<10240x16xf32, #tpu.memory_space<vmem_shared>>) offsets(%dma_start3A_59 : memref<128xi32, #tpu.memory_space<vmem>>) semaphore(%run_scoped3A_57 : memref<!tpu.dma_semaphore, #tpu.memory_space<semaphore_mem>>) {add = true}
        %dma_wait3A = arith.constant 0 : i32
        %dma_wait3A_63 = tpu.memref_slice %arg5[%scan3A_54, %dma_wait3A] : memref<80x128xi32, #tpu.memory_space<vmem>> -> memref<1x128xi32, #tpu.memory_space<vmem>>
        %dma_wait3A_64 = tpu.memref_squeeze %dma_wait3A_63 : memref<1x128xi32, #tpu.memory_space<vmem>> -> memref<128xi32, #tpu.memory_space<vmem>>
        %dma_wait3A_65 = arith.constant 0 : i32
        %dma_wait3A_66 = arith.constant 0 : i32
        %dma_wait3A_67 = tpu.memref_slice %arg4[%dma_wait3A_65, %dma_wait3A_66] : memref<10240x16xf32, #tpu.memory_space<vmem_shared>> -> memref<10240x16xf32, #tpu.memory_space<vmem_shared>>
        tpu.wait_indirect_dma semaphore(%run_scoped3A_57 : memref<!tpu.dma_semaphore, #tpu.memory_space<semaphore_mem>>) src(%arg6 : memref<128x16xf32, #tpu.memory_space<vmem>>) dst(%dma_wait3A_67 : memref<10240x16xf32, #tpu.memory_space<vmem_shared>>)
        tpu.yield
      }) : () -> ()
      %scan3A_56 = arith.constant 0 : i32
      scf.yield %scan3A_56 : i32
    }
    %scan3A_52 = arith.constant 80 : i32
    %barrier3A_53 = arith.constant 0 : index
    tpu.barrier barrier_id(%barrier3A_53)
    "tpu.region"() ({
      %run_scoped3A_54 = tpu.sem_alloc : memref<!tpu.dma_semaphore, #tpu.memory_space<semaphore_mem>>
      %dma_start3A = arith.constant 0 : i32
      %dma_start3A_55 = arith.constant 0 : i32
      %dma_start3A_56 = tpu.memref_slice %arg3[%arg0, %arg1, %dma_start3A, %dma_start3A_55] : memref<2x16x640x16xf32, #tpu.memory_space<hbm>> -> memref<1x1x640x16xf32, #tpu.memory_space<hbm>>
      %dma_start3A_57 = tpu.memref_squeeze %dma_start3A_56 : memref<1x1x640x16xf32, #tpu.memory_space<hbm>> -> memref<640x16xf32, #tpu.memory_space<hbm>>
      %dma_start3A_58 = arith.constant 0 : i32
      %dma_start3A_59 = tpu.memref_slice %arg4[%mul3A_2, %dma_start3A_58] : memref<10240x16xf32, #tpu.memory_space<vmem_shared>> -> memref<640x16xf32, #tpu.memory_space<vmem_shared>>
      tpu.enqueue_dma source(%dma_start3A_59 : memref<640x16xf32, #tpu.memory_space<vmem_shared>>) target(%dma_start3A_57 : memref<640x16xf32, #tpu.memory_space<hbm>>) target_semaphore(%run_scoped3A_54 : memref<!tpu.dma_semaphore, #tpu.memory_space<semaphore_mem>>)
      %dma_wait3A = arith.constant 0 : i32
      %dma_wait3A_60 = arith.constant 0 : i32
      %dma_wait3A_61 = tpu.memref_slice %arg3[%arg0, %arg1, %dma_wait3A, %dma_wait3A_60] : memref<2x16x640x16xf32, #tpu.memory_space<hbm>> -> memref<1x1x640x16xf32, #tpu.memory_space<hbm>>
      %dma_wait3A_62 = tpu.memref_squeeze %dma_wait3A_61 : memref<1x1x640x16xf32, #tpu.memory_space<hbm>> -> memref<640x16xf32, #tpu.memory_space<hbm>>
      %dma_wait3A_63 = arith.constant 0 : i32
      %dma_wait3A_64 = tpu.memref_slice %arg4[%mul3A_2, %dma_wait3A_63] : memref<10240x16xf32, #tpu.memory_space<vmem_shared>> -> memref<640x16xf32, #tpu.memory_space<vmem_shared>>
      tpu.wait_dma2 semaphore(%run_scoped3A_54 : memref<!tpu.dma_semaphore, #tpu.memory_space<semaphore_mem>>) src(%dma_wait3A_64 : memref<640x16xf32, #tpu.memory_space<vmem_shared>>) dst(%dma_wait3A_62 : memref<640x16xf32, #tpu.memory_space<hbm>>)
      tpu.yield
    }) : () -> ()
    return
  }
}

#map = affine_map<(d0, d1) -> (0, 0)>
#map1 = affine_map<(d0, d1) -> (0, 0, 0, 0)>
module attributes {stable_mosaic.version = 14 : i64} {
  func.func @_agg_body(%arg0: i32, %arg1: i32, %arg2: memref<10240x128xf32, #tpu.memory_space<hbm>>, %arg3: memref<2x32x80x128xi32, #tpu.memory_space<hbm>>, %arg4: memref<2x16x640x128xf32, #tpu.memory_space<hbm>>, %arg5: memref<10240x128xf32, #tpu.memory_space<vmem_shared>>, %arg6: memref<80x128xi32, #tpu.memory_space<vmem>>, %arg7: memref<80x128xi32, #tpu.memory_space<vmem>>, %arg8: memref<128x128xf32, #tpu.memory_space<vmem>>, %arg9: memref<!tpu.dma_semaphore, #tpu.memory_space<semaphore_mem>>) attributes {dimension_semantics = [#tpu.dimension_semantics<core_parallel>, #tpu.dimension_semantics<subcore_parallel>], iteration_bounds = array<i64: 2, 16>, scalar_prefetch = 0 : i64, scratch_operands = 5 : i64, tpu.core_type = #tpu.core_type<sc_vector_subcore>, window_params = [{transform_indices = #map}, {transform_indices = #map1}, {transform_indices = #map1}]} {
    %mul3A = arith.constant 16 : i32
    %mul3A_0 = arith.muli %arg0, %mul3A : i32
    %add3A = arith.addi %mul3A_0, %arg1 : i32
    %mul3A_1 = arith.constant 640 : i32
    %mul3A_2 = arith.muli %arg1, %mul3A_1 : i32
    %run_scoped3A = arith.constant 0 : i32
    "tpu.region"() ({
      %run_scoped3A_29 = tpu.sem_alloc : memref<!tpu.dma_semaphore, #tpu.memory_space<semaphore_mem>>
      %dma_start3A = arith.constant 0 : i32
      %dma_start3A_30 = arith.constant 0 : i32
      %dma_start3A_31 = tpu.memref_slice %arg3[%run_scoped3A, %add3A, %dma_start3A, %dma_start3A_30] : memref<2x32x80x128xi32, #tpu.memory_space<hbm>> -> memref<1x1x80x128xi32, #tpu.memory_space<hbm>>
      %dma_start3A_32 = tpu.memref_squeeze %dma_start3A_31 : memref<1x1x80x128xi32, #tpu.memory_space<hbm>> -> memref<80x128xi32, #tpu.memory_space<hbm>>
      %dma_start3A_33 = arith.constant 0 : i32
      %dma_start3A_34 = arith.constant 0 : i32
      %dma_start3A_35 = tpu.memref_slice %arg3[%run_scoped3A, %add3A, %dma_start3A_33, %dma_start3A_34] : memref<2x32x80x128xi32, #tpu.memory_space<hbm>> -> memref<1x1x80x128xi32, #tpu.memory_space<hbm>>
      %dma_start3A_36 = tpu.memref_squeeze %dma_start3A_35 : memref<1x1x80x128xi32, #tpu.memory_space<hbm>> -> memref<80x128xi32, #tpu.memory_space<hbm>>
      tpu.enqueue_dma source(%dma_start3A_36 : memref<80x128xi32, #tpu.memory_space<hbm>>) target(%arg6 : memref<80x128xi32, #tpu.memory_space<vmem>>) target_semaphore(%run_scoped3A_29 : memref<!tpu.dma_semaphore, #tpu.memory_space<semaphore_mem>>)
      %dma_wait3A = arith.constant 0 : i32
      %dma_wait3A_37 = arith.constant 0 : i32
      %dma_wait3A_38 = tpu.memref_slice %arg3[%run_scoped3A, %add3A, %dma_wait3A, %dma_wait3A_37] : memref<2x32x80x128xi32, #tpu.memory_space<hbm>> -> memref<1x1x80x128xi32, #tpu.memory_space<hbm>>
      %dma_wait3A_39 = tpu.memref_squeeze %dma_wait3A_38 : memref<1x1x80x128xi32, #tpu.memory_space<hbm>> -> memref<80x128xi32, #tpu.memory_space<hbm>>
      %dma_wait3A_40 = arith.constant 0 : i32
      %dma_wait3A_41 = arith.constant 0 : i32
      %dma_wait3A_42 = tpu.memref_slice %arg3[%run_scoped3A, %add3A, %dma_wait3A_40, %dma_wait3A_41] : memref<2x32x80x128xi32, #tpu.memory_space<hbm>> -> memref<1x1x80x128xi32, #tpu.memory_space<hbm>>
      %dma_wait3A_43 = tpu.memref_squeeze %dma_wait3A_42 : memref<1x1x80x128xi32, #tpu.memory_space<hbm>> -> memref<80x128xi32, #tpu.memory_space<hbm>>
      tpu.wait_dma2 semaphore(%run_scoped3A_29 : memref<!tpu.dma_semaphore, #tpu.memory_space<semaphore_mem>>) src(%dma_wait3A_43 : memref<80x128xi32, #tpu.memory_space<hbm>>) dst(%arg6 : memref<80x128xi32, #tpu.memory_space<vmem>>)
      tpu.yield
    }) : () -> ()
    %run_scoped3A_3 = arith.constant 1 : i32
    "tpu.region"() ({
      %run_scoped3A_29 = tpu.sem_alloc : memref<!tpu.dma_semaphore, #tpu.memory_space<semaphore_mem>>
      %dma_start3A = arith.constant 0 : i32
      %dma_start3A_30 = arith.constant 0 : i32
      %dma_start3A_31 = tpu.memref_slice %arg3[%run_scoped3A_3, %add3A, %dma_start3A, %dma_start3A_30] : memref<2x32x80x128xi32, #tpu.memory_space<hbm>> -> memref<1x1x80x128xi32, #tpu.memory_space<hbm>>
      %dma_start3A_32 = tpu.memref_squeeze %dma_start3A_31 : memref<1x1x80x128xi32, #tpu.memory_space<hbm>> -> memref<80x128xi32, #tpu.memory_space<hbm>>
      %dma_start3A_33 = arith.constant 0 : i32
      %dma_start3A_34 = arith.constant 0 : i32
      %dma_start3A_35 = tpu.memref_slice %arg3[%run_scoped3A_3, %add3A, %dma_start3A_33, %dma_start3A_34] : memref<2x32x80x128xi32, #tpu.memory_space<hbm>> -> memref<1x1x80x128xi32, #tpu.memory_space<hbm>>
      %dma_start3A_36 = tpu.memref_squeeze %dma_start3A_35 : memref<1x1x80x128xi32, #tpu.memory_space<hbm>> -> memref<80x128xi32, #tpu.memory_space<hbm>>
      tpu.enqueue_dma source(%dma_start3A_36 : memref<80x128xi32, #tpu.memory_space<hbm>>) target(%arg7 : memref<80x128xi32, #tpu.memory_space<vmem>>) target_semaphore(%run_scoped3A_29 : memref<!tpu.dma_semaphore, #tpu.memory_space<semaphore_mem>>)
      %dma_wait3A = arith.constant 0 : i32
      %dma_wait3A_37 = arith.constant 0 : i32
      %dma_wait3A_38 = tpu.memref_slice %arg3[%run_scoped3A_3, %add3A, %dma_wait3A, %dma_wait3A_37] : memref<2x32x80x128xi32, #tpu.memory_space<hbm>> -> memref<1x1x80x128xi32, #tpu.memory_space<hbm>>
      %dma_wait3A_39 = tpu.memref_squeeze %dma_wait3A_38 : memref<1x1x80x128xi32, #tpu.memory_space<hbm>> -> memref<80x128xi32, #tpu.memory_space<hbm>>
      %dma_wait3A_40 = arith.constant 0 : i32
      %dma_wait3A_41 = arith.constant 0 : i32
      %dma_wait3A_42 = tpu.memref_slice %arg3[%run_scoped3A_3, %add3A, %dma_wait3A_40, %dma_wait3A_41] : memref<2x32x80x128xi32, #tpu.memory_space<hbm>> -> memref<1x1x80x128xi32, #tpu.memory_space<hbm>>
      %dma_wait3A_43 = tpu.memref_squeeze %dma_wait3A_42 : memref<1x1x80x128xi32, #tpu.memory_space<hbm>> -> memref<80x128xi32, #tpu.memory_space<hbm>>
      tpu.wait_dma2 semaphore(%run_scoped3A_29 : memref<!tpu.dma_semaphore, #tpu.memory_space<semaphore_mem>>) src(%dma_wait3A_43 : memref<80x128xi32, #tpu.memory_space<hbm>>) dst(%arg7 : memref<80x128xi32, #tpu.memory_space<vmem>>)
      tpu.yield
    }) : () -> ()
    %broadcast_in_dim3A = arith.constant 0.000000e+00 : f32
    %broadcast_in_dim3A_4 = vector.broadcast %broadcast_in_dim3A : f32 to vector<16xf32>
    %scan3A = arith.constant 0 : i32
    %scan3A_5 = arith.constant 0 : i32
    %scan3A_6 = arith.constant 128 : i32
    %scan3A_7 = arith.addi %scan3A_5, %scan3A_6 : i32
    %scan3A_8 = arith.constant 1 : i32
    %scan3A_9 = scf.for %scan3A_29 = %scan3A_5 to %scan3A_7 step %scan3A_8 iter_args(%scan3A_30 = %scan3A) -> (i32)  : i32 {
      %swap3A = arith.index_cast %scan3A_29 : i32 to index
      %swap3A_31 = arith.constant 0 : index
      %swap3A_32 = tpu.vector_load %arg8[%swap3A, %swap3A_31] {strides = array<i32>} : memref<128x128xf32, #tpu.memory_space<vmem>>, vector<1x16xf32>,
      %swap3A_33 = vector.shape_cast %swap3A_32 : vector<1x16xf32> to vector<16xf32>
      %swap3A_34 = vector.shape_cast %broadcast_in_dim3A_4 : vector<16xf32> to vector<1x16xf32>
      tpu.vector_store %arg8[%swap3A, %swap3A_31], %swap3A_34 {strides = array<i32>} : memref<128x128xf32, #tpu.memory_space<vmem>>, vector<1x16xf32>,
      %swap3A_35 = arith.index_cast %scan3A_29 : i32 to index
      %swap3A_36 = arith.constant 16 : index
      %swap3A_37 = tpu.vector_load %arg8[%swap3A_35, %swap3A_36] {strides = array<i32>} : memref<128x128xf32, #tpu.memory_space<vmem>>, vector<1x16xf32>,
      %swap3A_38 = vector.shape_cast %swap3A_37 : vector<1x16xf32> to vector<16xf32>
      %swap3A_39 = vector.shape_cast %broadcast_in_dim3A_4 : vector<16xf32> to vector<1x16xf32>
      tpu.vector_store %arg8[%swap3A_35, %swap3A_36], %swap3A_39 {strides = array<i32>} : memref<128x128xf32, #tpu.memory_space<vmem>>, vector<1x16xf32>,
      %swap3A_40 = arith.index_cast %scan3A_29 : i32 to index
      %swap3A_41 = arith.constant 32 : index
      %swap3A_42 = tpu.vector_load %arg8[%swap3A_40, %swap3A_41] {strides = array<i32>} : memref<128x128xf32, #tpu.memory_space<vmem>>, vector<1x16xf32>,
      %swap3A_43 = vector.shape_cast %swap3A_42 : vector<1x16xf32> to vector<16xf32>
      %swap3A_44 = vector.shape_cast %broadcast_in_dim3A_4 : vector<16xf32> to vector<1x16xf32>
      tpu.vector_store %arg8[%swap3A_40, %swap3A_41], %swap3A_44 {strides = array<i32>} : memref<128x128xf32, #tpu.memory_space<vmem>>, vector<1x16xf32>,
      %swap3A_45 = arith.index_cast %scan3A_29 : i32 to index
      %swap3A_46 = arith.constant 48 : index
      %swap3A_47 = tpu.vector_load %arg8[%swap3A_45, %swap3A_46] {strides = array<i32>} : memref<128x128xf32, #tpu.memory_space<vmem>>, vector<1x16xf32>,
      %swap3A_48 = vector.shape_cast %swap3A_47 : vector<1x16xf32> to vector<16xf32>
      %swap3A_49 = vector.shape_cast %broadcast_in_dim3A_4 : vector<16xf32> to vector<1x16xf32>
      tpu.vector_store %arg8[%swap3A_45, %swap3A_46], %swap3A_49 {strides = array<i32>} : memref<128x128xf32, #tpu.memory_space<vmem>>, vector<1x16xf32>,
      %swap3A_50 = arith.index_cast %scan3A_29 : i32 to index
      %swap3A_51 = arith.constant 64 : index
      %swap3A_52 = tpu.vector_load %arg8[%swap3A_50, %swap3A_51] {strides = array<i32>} : memref<128x128xf32, #tpu.memory_space<vmem>>, vector<1x16xf32>,
      %swap3A_53 = vector.shape_cast %swap3A_52 : vector<1x16xf32> to vector<16xf32>
      %swap3A_54 = vector.shape_cast %broadcast_in_dim3A_4 : vector<16xf32> to vector<1x16xf32>
      tpu.vector_store %arg8[%swap3A_50, %swap3A_51], %swap3A_54 {strides = array<i32>} : memref<128x128xf32, #tpu.memory_space<vmem>>, vector<1x16xf32>,
      %swap3A_55 = arith.index_cast %scan3A_29 : i32 to index
      %swap3A_56 = arith.constant 80 : index
      %swap3A_57 = tpu.vector_load %arg8[%swap3A_55, %swap3A_56] {strides = array<i32>} : memref<128x128xf32, #tpu.memory_space<vmem>>, vector<1x16xf32>,
      %swap3A_58 = vector.shape_cast %swap3A_57 : vector<1x16xf32> to vector<16xf32>
      %swap3A_59 = vector.shape_cast %broadcast_in_dim3A_4 : vector<16xf32> to vector<1x16xf32>
      tpu.vector_store %arg8[%swap3A_55, %swap3A_56], %swap3A_59 {strides = array<i32>} : memref<128x128xf32, #tpu.memory_space<vmem>>, vector<1x16xf32>,
      %swap3A_60 = arith.index_cast %scan3A_29 : i32 to index
      %swap3A_61 = arith.constant 96 : index
      %swap3A_62 = tpu.vector_load %arg8[%swap3A_60, %swap3A_61] {strides = array<i32>} : memref<128x128xf32, #tpu.memory_space<vmem>>, vector<1x16xf32>,
      %swap3A_63 = vector.shape_cast %swap3A_62 : vector<1x16xf32> to vector<16xf32>
      %swap3A_64 = vector.shape_cast %broadcast_in_dim3A_4 : vector<16xf32> to vector<1x16xf32>
      tpu.vector_store %arg8[%swap3A_60, %swap3A_61], %swap3A_64 {strides = array<i32>} : memref<128x128xf32, #tpu.memory_space<vmem>>, vector<1x16xf32>,
      %swap3A_65 = arith.index_cast %scan3A_29 : i32 to index
      %swap3A_66 = arith.constant 112 : index
      %swap3A_67 = tpu.vector_load %arg8[%swap3A_65, %swap3A_66] {strides = array<i32>} : memref<128x128xf32, #tpu.memory_space<vmem>>, vector<1x16xf32>,
      %swap3A_68 = vector.shape_cast %swap3A_67 : vector<1x16xf32> to vector<16xf32>
      %swap3A_69 = vector.shape_cast %broadcast_in_dim3A_4 : vector<16xf32> to vector<1x16xf32>
      tpu.vector_store %arg8[%swap3A_65, %swap3A_66], %swap3A_69 {strides = array<i32>} : memref<128x128xf32, #tpu.memory_space<vmem>>, vector<1x16xf32>,
      %scan3A_70 = arith.constant 0 : i32
      scf.yield %scan3A_70 : i32
    }
    %scan3A_10 = arith.constant 128 : i32
    %add3A_11 = arith.constant 0 : i32
    %add3A_12 = arith.addi %mul3A_2, %add3A_11 : i32
    "tpu.region"() ({
      %run_scoped3A_29 = tpu.sem_alloc : memref<!tpu.dma_semaphore, #tpu.memory_space<semaphore_mem>>
      %dma_start3A = arith.constant 0 : i32
      %dma_start3A_30 = tpu.memref_slice %arg5[%add3A_12, %dma_start3A] : memref<10240x128xf32, #tpu.memory_space<vmem_shared>> -> memref<128x128xf32, #tpu.memory_space<vmem_shared>>
      %dma_start3A_31 = arith.constant 0 : i32
      %dma_start3A_32 = tpu.memref_slice %arg5[%add3A_12, %dma_start3A_31] : memref<10240x128xf32, #tpu.memory_space<vmem_shared>> -> memref<128x128xf32, #tpu.memory_space<vmem_shared>>
      tpu.enqueue_dma source(%arg8 : memref<128x128xf32, #tpu.memory_space<vmem>>) target(%dma_start3A_32 : memref<128x128xf32, #tpu.memory_space<vmem_shared>>) target_semaphore(%run_scoped3A_29 : memref<!tpu.dma_semaphore, #tpu.memory_space<semaphore_mem>>)
      %dma_wait3A = arith.constant 0 : i32
      %dma_wait3A_33 = tpu.memref_slice %arg5[%add3A_12, %dma_wait3A] : memref<10240x128xf32, #tpu.memory_space<vmem_shared>> -> memref<128x128xf32, #tpu.memory_space<vmem_shared>>
      %dma_wait3A_34 = arith.constant 0 : i32
      %dma_wait3A_35 = tpu.memref_slice %arg5[%add3A_12, %dma_wait3A_34] : memref<10240x128xf32, #tpu.memory_space<vmem_shared>> -> memref<128x128xf32, #tpu.memory_space<vmem_shared>>
      tpu.wait_dma2 semaphore(%run_scoped3A_29 : memref<!tpu.dma_semaphore, #tpu.memory_space<semaphore_mem>>) src(%arg8 : memref<128x128xf32, #tpu.memory_space<vmem>>) dst(%dma_wait3A_35 : memref<128x128xf32, #tpu.memory_space<vmem_shared>>)
      tpu.yield
    }) : () -> ()
    %add3A_13 = arith.constant 128 : i32
    %add3A_14 = arith.addi %mul3A_2, %add3A_13 : i32
    "tpu.region"() ({
      %run_scoped3A_29 = tpu.sem_alloc : memref<!tpu.dma_semaphore, #tpu.memory_space<semaphore_mem>>
      %dma_start3A = arith.constant 0 : i32
      %dma_start3A_30 = tpu.memref_slice %arg5[%add3A_14, %dma_start3A] : memref<10240x128xf32, #tpu.memory_space<vmem_shared>> -> memref<128x128xf32, #tpu.memory_space<vmem_shared>>
      %dma_start3A_31 = arith.constant 0 : i32
      %dma_start3A_32 = tpu.memref_slice %arg5[%add3A_14, %dma_start3A_31] : memref<10240x128xf32, #tpu.memory_space<vmem_shared>> -> memref<128x128xf32, #tpu.memory_space<vmem_shared>>
      tpu.enqueue_dma source(%arg8 : memref<128x128xf32, #tpu.memory_space<vmem>>) target(%dma_start3A_32 : memref<128x128xf32, #tpu.memory_space<vmem_shared>>) target_semaphore(%run_scoped3A_29 : memref<!tpu.dma_semaphore, #tpu.memory_space<semaphore_mem>>)
      %dma_wait3A = arith.constant 0 : i32
      %dma_wait3A_33 = tpu.memref_slice %arg5[%add3A_14, %dma_wait3A] : memref<10240x128xf32, #tpu.memory_space<vmem_shared>> -> memref<128x128xf32, #tpu.memory_space<vmem_shared>>
      %dma_wait3A_34 = arith.constant 0 : i32
      %dma_wait3A_35 = tpu.memref_slice %arg5[%add3A_14, %dma_wait3A_34] : memref<10240x128xf32, #tpu.memory_space<vmem_shared>> -> memref<128x128xf32, #tpu.memory_space<vmem_shared>>
      tpu.wait_dma2 semaphore(%run_scoped3A_29 : memref<!tpu.dma_semaphore, #tpu.memory_space<semaphore_mem>>) src(%arg8 : memref<128x128xf32, #tpu.memory_space<vmem>>) dst(%dma_wait3A_35 : memref<128x128xf32, #tpu.memory_space<vmem_shared>>)
      tpu.yield
    }) : () -> ()
    %add3A_15 = arith.constant 256 : i32
    %add3A_16 = arith.addi %mul3A_2, %add3A_15 : i32
    "tpu.region"() ({
      %run_scoped3A_29 = tpu.sem_alloc : memref<!tpu.dma_semaphore, #tpu.memory_space<semaphore_mem>>
      %dma_start3A = arith.constant 0 : i32
      %dma_start3A_30 = tpu.memref_slice %arg5[%add3A_16, %dma_start3A] : memref<10240x128xf32, #tpu.memory_space<vmem_shared>> -> memref<128x128xf32, #tpu.memory_space<vmem_shared>>
      %dma_start3A_31 = arith.constant 0 : i32
      %dma_start3A_32 = tpu.memref_slice %arg5[%add3A_16, %dma_start3A_31] : memref<10240x128xf32, #tpu.memory_space<vmem_shared>> -> memref<128x128xf32, #tpu.memory_space<vmem_shared>>
      tpu.enqueue_dma source(%arg8 : memref<128x128xf32, #tpu.memory_space<vmem>>) target(%dma_start3A_32 : memref<128x128xf32, #tpu.memory_space<vmem_shared>>) target_semaphore(%run_scoped3A_29 : memref<!tpu.dma_semaphore, #tpu.memory_space<semaphore_mem>>)
      %dma_wait3A = arith.constant 0 : i32
      %dma_wait3A_33 = tpu.memref_slice %arg5[%add3A_16, %dma_wait3A] : memref<10240x128xf32, #tpu.memory_space<vmem_shared>> -> memref<128x128xf32, #tpu.memory_space<vmem_shared>>
      %dma_wait3A_34 = arith.constant 0 : i32
      %dma_wait3A_35 = tpu.memref_slice %arg5[%add3A_16, %dma_wait3A_34] : memref<10240x128xf32, #tpu.memory_space<vmem_shared>> -> memref<128x128xf32, #tpu.memory_space<vmem_shared>>
      tpu.wait_dma2 semaphore(%run_scoped3A_29 : memref<!tpu.dma_semaphore, #tpu.memory_space<semaphore_mem>>) src(%arg8 : memref<128x128xf32, #tpu.memory_space<vmem>>) dst(%dma_wait3A_35 : memref<128x128xf32, #tpu.memory_space<vmem_shared>>)
      tpu.yield
    }) : () -> ()
    %add3A_17 = arith.constant 384 : i32
    %add3A_18 = arith.addi %mul3A_2, %add3A_17 : i32
    "tpu.region"() ({
      %run_scoped3A_29 = tpu.sem_alloc : memref<!tpu.dma_semaphore, #tpu.memory_space<semaphore_mem>>
      %dma_start3A = arith.constant 0 : i32
      %dma_start3A_30 = tpu.memref_slice %arg5[%add3A_18, %dma_start3A] : memref<10240x128xf32, #tpu.memory_space<vmem_shared>> -> memref<128x128xf32, #tpu.memory_space<vmem_shared>>
      %dma_start3A_31 = arith.constant 0 : i32
      %dma_start3A_32 = tpu.memref_slice %arg5[%add3A_18, %dma_start3A_31] : memref<10240x128xf32, #tpu.memory_space<vmem_shared>> -> memref<128x128xf32, #tpu.memory_space<vmem_shared>>
      tpu.enqueue_dma source(%arg8 : memref<128x128xf32, #tpu.memory_space<vmem>>) target(%dma_start3A_32 : memref<128x128xf32, #tpu.memory_space<vmem_shared>>) target_semaphore(%run_scoped3A_29 : memref<!tpu.dma_semaphore, #tpu.memory_space<semaphore_mem>>)
      %dma_wait3A = arith.constant 0 : i32
      %dma_wait3A_33 = tpu.memref_slice %arg5[%add3A_18, %dma_wait3A] : memref<10240x128xf32, #tpu.memory_space<vmem_shared>> -> memref<128x128xf32, #tpu.memory_space<vmem_shared>>
      %dma_wait3A_34 = arith.constant 0 : i32
      %dma_wait3A_35 = tpu.memref_slice %arg5[%add3A_18, %dma_wait3A_34] : memref<10240x128xf32, #tpu.memory_space<vmem_shared>> -> memref<128x128xf32, #tpu.memory_space<vmem_shared>>
      tpu.wait_dma2 semaphore(%run_scoped3A_29 : memref<!tpu.dma_semaphore, #tpu.memory_space<semaphore_mem>>) src(%arg8 : memref<128x128xf32, #tpu.memory_space<vmem>>) dst(%dma_wait3A_35 : memref<128x128xf32, #tpu.memory_space<vmem_shared>>)
      tpu.yield
    }) : () -> ()
    %add3A_19 = arith.constant 512 : i32
    %add3A_20 = arith.addi %mul3A_2, %add3A_19 : i32
    "tpu.region"() ({
      %run_scoped3A_29 = tpu.sem_alloc : memref<!tpu.dma_semaphore, #tpu.memory_space<semaphore_mem>>
      %dma_start3A = arith.constant 0 : i32
      %dma_start3A_30 = tpu.memref_slice %arg5[%add3A_20, %dma_start3A] : memref<10240x128xf32, #tpu.memory_space<vmem_shared>> -> memref<128x128xf32, #tpu.memory_space<vmem_shared>>
      %dma_start3A_31 = arith.constant 0 : i32
      %dma_start3A_32 = tpu.memref_slice %arg5[%add3A_20, %dma_start3A_31] : memref<10240x128xf32, #tpu.memory_space<vmem_shared>> -> memref<128x128xf32, #tpu.memory_space<vmem_shared>>
      tpu.enqueue_dma source(%arg8 : memref<128x128xf32, #tpu.memory_space<vmem>>) target(%dma_start3A_32 : memref<128x128xf32, #tpu.memory_space<vmem_shared>>) target_semaphore(%run_scoped3A_29 : memref<!tpu.dma_semaphore, #tpu.memory_space<semaphore_mem>>)
      %dma_wait3A = arith.constant 0 : i32
      %dma_wait3A_33 = tpu.memref_slice %arg5[%add3A_20, %dma_wait3A] : memref<10240x128xf32, #tpu.memory_space<vmem_shared>> -> memref<128x128xf32, #tpu.memory_space<vmem_shared>>
      %dma_wait3A_34 = arith.constant 0 : i32
      %dma_wait3A_35 = tpu.memref_slice %arg5[%add3A_20, %dma_wait3A_34] : memref<10240x128xf32, #tpu.memory_space<vmem_shared>> -> memref<128x128xf32, #tpu.memory_space<vmem_shared>>
      tpu.wait_dma2 semaphore(%run_scoped3A_29 : memref<!tpu.dma_semaphore, #tpu.memory_space<semaphore_mem>>) src(%arg8 : memref<128x128xf32, #tpu.memory_space<vmem>>) dst(%dma_wait3A_35 : memref<128x128xf32, #tpu.memory_space<vmem_shared>>)
      tpu.yield
    }) : () -> ()
    %barrier3A = arith.constant 0 : index
    tpu.barrier barrier_id(%barrier3A)
    %scan3A_21 = arith.constant 0 : i32
    %scan3A_22 = arith.constant 0 : i32
    %scan3A_23 = arith.constant 80 : i32
    %scan3A_24 = arith.addi %scan3A_22, %scan3A_23 : i32
    %scan3A_25 = arith.constant 1 : i32
    %scan3A_26 = scf.for %scan3A_29 = %scan3A_22 to %scan3A_24 step %scan3A_25 iter_args(%scan3A_30 = %scan3A_21) -> (i32)  : i32 {
      %dma_start3A = arith.constant 0 : i32
      %dma_start3A_31 = tpu.memref_slice %arg6[%scan3A_29, %dma_start3A] : memref<80x128xi32, #tpu.memory_space<vmem>> -> memref<1x128xi32, #tpu.memory_space<vmem>>
      %dma_start3A_32 = tpu.memref_squeeze %dma_start3A_31 : memref<1x128xi32, #tpu.memory_space<vmem>> -> memref<128xi32, #tpu.memory_space<vmem>>
      %dma_start3A_33 = arith.constant 0 : i32
      %dma_start3A_34 = arith.constant 0 : i32
      %dma_start3A_35 = tpu.memref_slice %arg2[%dma_start3A_33, %dma_start3A_34] : memref<10240x128xf32, #tpu.memory_space<hbm>> -> memref<10240x128xf32, #tpu.memory_space<hbm>>
      tpu.enqueue_indirect_dma source(%dma_start3A_35 : memref<10240x128xf32, #tpu.memory_space<hbm>>) target(%arg8 : memref<128x128xf32, #tpu.memory_space<vmem>>) offsets(%dma_start3A_32 : memref<128xi32, #tpu.memory_space<vmem>>) semaphore(%arg9 : memref<!tpu.dma_semaphore, #tpu.memory_space<semaphore_mem>>)
      %dma_wait3A = arith.constant 0 : i32
      %dma_wait3A_36 = tpu.memref_slice %arg6[%scan3A_29, %dma_wait3A] : memref<80x128xi32, #tpu.memory_space<vmem>> -> memref<1x128xi32, #tpu.memory_space<vmem>>
      %dma_wait3A_37 = tpu.memref_squeeze %dma_wait3A_36 : memref<1x128xi32, #tpu.memory_space<vmem>> -> memref<128xi32, #tpu.memory_space<vmem>>
      %dma_wait3A_38 = arith.constant 0 : i32
      %dma_wait3A_39 = arith.constant 0 : i32
      %dma_wait3A_40 = tpu.memref_slice %arg2[%dma_wait3A_38, %dma_wait3A_39] : memref<10240x128xf32, #tpu.memory_space<hbm>> -> memref<10240x128xf32, #tpu.memory_space<hbm>>
      tpu.wait_indirect_dma semaphore(%arg9 : memref<!tpu.dma_semaphore, #tpu.memory_space<semaphore_mem>>) src(%dma_wait3A_40 : memref<10240x128xf32, #tpu.memory_space<hbm>>) dst(%arg8 : memref<128x128xf32, #tpu.memory_space<vmem>>)
      "tpu.region"() ({
        %run_scoped3A_42 = tpu.sem_alloc : memref<!tpu.dma_semaphore, #tpu.memory_space<semaphore_mem>>
        %dma_start3A_43 = arith.constant 0 : i32
        %dma_start3A_44 = tpu.memref_slice %arg7[%scan3A_29, %dma_start3A_43] : memref<80x128xi32, #tpu.memory_space<vmem>> -> memref<1x128xi32, #tpu.memory_space<vmem>>
        %dma_start3A_45 = tpu.memref_squeeze %dma_start3A_44 : memref<1x128xi32, #tpu.memory_space<vmem>> -> memref<128xi32, #tpu.memory_space<vmem>>
        %dma_start3A_46 = arith.constant 0 : i32
        %dma_start3A_47 = arith.constant 0 : i32
        %dma_start3A_48 = tpu.memref_slice %arg5[%dma_start3A_46, %dma_start3A_47] : memref<10240x128xf32, #tpu.memory_space<vmem_shared>> -> memref<10240x128xf32, #tpu.memory_space<vmem_shared>>
        tpu.enqueue_indirect_dma source(%arg8 : memref<128x128xf32, #tpu.memory_space<vmem>>) target(%dma_start3A_48 : memref<10240x128xf32, #tpu.memory_space<vmem_shared>>) offsets(%dma_start3A_45 : memref<128xi32, #tpu.memory_space<vmem>>) semaphore(%run_scoped3A_42 : memref<!tpu.dma_semaphore, #tpu.memory_space<semaphore_mem>>) {add = true}
        %dma_wait3A_49 = arith.constant 0 : i32
        %dma_wait3A_50 = tpu.memref_slice %arg7[%scan3A_29, %dma_wait3A_49] : memref<80x128xi32, #tpu.memory_space<vmem>> -> memref<1x128xi32, #tpu.memory_space<vmem>>
        %dma_wait3A_51 = tpu.memref_squeeze %dma_wait3A_50 : memref<1x128xi32, #tpu.memory_space<vmem>> -> memref<128xi32, #tpu.memory_space<vmem>>
        %dma_wait3A_52 = arith.constant 0 : i32
        %dma_wait3A_53 = arith.constant 0 : i32
        %dma_wait3A_54 = tpu.memref_slice %arg5[%dma_wait3A_52, %dma_wait3A_53] : memref<10240x128xf32, #tpu.memory_space<vmem_shared>> -> memref<10240x128xf32, #tpu.memory_space<vmem_shared>>
        tpu.wait_indirect_dma semaphore(%run_scoped3A_42 : memref<!tpu.dma_semaphore, #tpu.memory_space<semaphore_mem>>) src(%arg8 : memref<128x128xf32, #tpu.memory_space<vmem>>) dst(%dma_wait3A_54 : memref<10240x128xf32, #tpu.memory_space<vmem_shared>>)
        tpu.yield
      }) : () -> ()
      %scan3A_41 = arith.constant 0 : i32
      scf.yield %scan3A_41 : i32
    }
    %scan3A_27 = arith.constant 80 : i32
    %barrier3A_28 = arith.constant 0 : index
    tpu.barrier barrier_id(%barrier3A_28)
    "tpu.region"() ({
      %run_scoped3A_29 = tpu.sem_alloc : memref<!tpu.dma_semaphore, #tpu.memory_space<semaphore_mem>>
      %dma_start3A = arith.constant 0 : i32
      %dma_start3A_30 = arith.constant 0 : i32
      %dma_start3A_31 = tpu.memref_slice %arg4[%arg0, %arg1, %dma_start3A, %dma_start3A_30] : memref<2x16x640x128xf32, #tpu.memory_space<hbm>> -> memref<1x1x640x128xf32, #tpu.memory_space<hbm>>
      %dma_start3A_32 = tpu.memref_squeeze %dma_start3A_31 : memref<1x1x640x128xf32, #tpu.memory_space<hbm>> -> memref<640x128xf32, #tpu.memory_space<hbm>>
      %dma_start3A_33 = arith.constant 0 : i32
      %dma_start3A_34 = tpu.memref_slice %arg5[%mul3A_2, %dma_start3A_33] : memref<10240x128xf32, #tpu.memory_space<vmem_shared>> -> memref<640x128xf32, #tpu.memory_space<vmem_shared>>
      tpu.enqueue_dma source(%dma_start3A_34 : memref<640x128xf32, #tpu.memory_space<vmem_shared>>) target(%dma_start3A_32 : memref<640x128xf32, #tpu.memory_space<hbm>>) target_semaphore(%run_scoped3A_29 : memref<!tpu.dma_semaphore, #tpu.memory_space<semaphore_mem>>)
      %dma_wait3A = arith.constant 0 : i32
      %dma_wait3A_35 = arith.constant 0 : i32
      %dma_wait3A_36 = tpu.memref_slice %arg4[%arg0, %arg1, %dma_wait3A, %dma_wait3A_35] : memref<2x16x640x128xf32, #tpu.memory_space<hbm>> -> memref<1x1x640x128xf32, #tpu.memory_space<hbm>>
      %dma_wait3A_37 = tpu.memref_squeeze %dma_wait3A_36 : memref<1x1x640x128xf32, #tpu.memory_space<hbm>> -> memref<640x128xf32, #tpu.memory_space<hbm>>
      %dma_wait3A_38 = arith.constant 0 : i32
      %dma_wait3A_39 = tpu.memref_slice %arg5[%mul3A_2, %dma_wait3A_38] : memref<10240x128xf32, #tpu.memory_space<vmem_shared>> -> memref<640x128xf32, #tpu.memory_space<vmem_shared>>
      tpu.wait_dma2 semaphore(%run_scoped3A_29 : memref<!tpu.dma_semaphore, #tpu.memory_space<semaphore_mem>>) src(%dma_wait3A_39 : memref<640x128xf32, #tpu.memory_space<vmem_shared>>) dst(%dma_wait3A_37 : memref<640x128xf32, #tpu.memory_space<hbm>>)
      tpu.yield
    }) : () -> ()
    return
  }
}

#map = affine_map<(d0, d1) -> (0, 0)>
#map1 = affine_map<(d0, d1) -> (0, 0, 0, 0)>
module attributes {stable_mosaic.version = 14 : i64} {
  func.func @_agg_body(%arg0: i32, %arg1: i32, %arg2: memref<10240x128xf32, #tpu.memory_space<hbm>>, %arg3: memref<2x32x80x128xi32, #tpu.memory_space<hbm>>, %arg4: memref<2x16x640x128xf32, #tpu.memory_space<hbm>>, %arg5: memref<10240x128xf32, #tpu.memory_space<vmem_shared>>, %arg6: memref<80x128xi32, #tpu.memory_space<vmem>>, %arg7: memref<80x128xi32, #tpu.memory_space<vmem>>, %arg8: memref<128x128xf32, #tpu.memory_space<vmem>>, %arg9: memref<!tpu.dma_semaphore, #tpu.memory_space<semaphore_mem>>) attributes {dimension_semantics = [#tpu.dimension_semantics<core_parallel>, #tpu.dimension_semantics<subcore_parallel>], iteration_bounds = array<i64: 2, 16>, scalar_prefetch = 0 : i64, scratch_operands = 5 : i64, tpu.core_type = #tpu.core_type<sc_vector_subcore>, window_params = [{transform_indices = #map}, {transform_indices = #map1}, {transform_indices = #map1}]} {
    %mul3A = arith.constant 16 : i32
    %mul3A_0 = arith.muli %arg0, %mul3A : i32
    %add3A = arith.addi %mul3A_0, %arg1 : i32
    %mul3A_1 = arith.constant 640 : i32
    %mul3A_2 = arith.muli %arg1, %mul3A_1 : i32
    %run_scoped3A = arith.constant 0 : i32
    "tpu.region"() ({
      %run_scoped3A_29 = tpu.sem_alloc : memref<!tpu.dma_semaphore, #tpu.memory_space<semaphore_mem>>
      %dma_start3A = arith.constant 0 : i32
      %dma_start3A_30 = arith.constant 0 : i32
      %dma_start3A_31 = tpu.memref_slice %arg3[%run_scoped3A, %add3A, %dma_start3A, %dma_start3A_30] : memref<2x32x80x128xi32, #tpu.memory_space<hbm>> -> memref<1x1x80x128xi32, #tpu.memory_space<hbm>>
      %dma_start3A_32 = tpu.memref_squeeze %dma_start3A_31 : memref<1x1x80x128xi32, #tpu.memory_space<hbm>> -> memref<80x128xi32, #tpu.memory_space<hbm>>
      %dma_start3A_33 = arith.constant 0 : i32
      %dma_start3A_34 = arith.constant 0 : i32
      %dma_start3A_35 = tpu.memref_slice %arg3[%run_scoped3A, %add3A, %dma_start3A_33, %dma_start3A_34] : memref<2x32x80x128xi32, #tpu.memory_space<hbm>> -> memref<1x1x80x128xi32, #tpu.memory_space<hbm>>
      %dma_start3A_36 = tpu.memref_squeeze %dma_start3A_35 : memref<1x1x80x128xi32, #tpu.memory_space<hbm>> -> memref<80x128xi32, #tpu.memory_space<hbm>>
      tpu.enqueue_dma source(%dma_start3A_36 : memref<80x128xi32, #tpu.memory_space<hbm>>) target(%arg6 : memref<80x128xi32, #tpu.memory_space<vmem>>) target_semaphore(%run_scoped3A_29 : memref<!tpu.dma_semaphore, #tpu.memory_space<semaphore_mem>>)
      %dma_wait3A = arith.constant 0 : i32
      %dma_wait3A_37 = arith.constant 0 : i32
      %dma_wait3A_38 = tpu.memref_slice %arg3[%run_scoped3A, %add3A, %dma_wait3A, %dma_wait3A_37] : memref<2x32x80x128xi32, #tpu.memory_space<hbm>> -> memref<1x1x80x128xi32, #tpu.memory_space<hbm>>
      %dma_wait3A_39 = tpu.memref_squeeze %dma_wait3A_38 : memref<1x1x80x128xi32, #tpu.memory_space<hbm>> -> memref<80x128xi32, #tpu.memory_space<hbm>>
      %dma_wait3A_40 = arith.constant 0 : i32
      %dma_wait3A_41 = arith.constant 0 : i32
      %dma_wait3A_42 = tpu.memref_slice %arg3[%run_scoped3A, %add3A, %dma_wait3A_40, %dma_wait3A_41] : memref<2x32x80x128xi32, #tpu.memory_space<hbm>> -> memref<1x1x80x128xi32, #tpu.memory_space<hbm>>
      %dma_wait3A_43 = tpu.memref_squeeze %dma_wait3A_42 : memref<1x1x80x128xi32, #tpu.memory_space<hbm>> -> memref<80x128xi32, #tpu.memory_space<hbm>>
      tpu.wait_dma2 semaphore(%run_scoped3A_29 : memref<!tpu.dma_semaphore, #tpu.memory_space<semaphore_mem>>) src(%dma_wait3A_43 : memref<80x128xi32, #tpu.memory_space<hbm>>) dst(%arg6 : memref<80x128xi32, #tpu.memory_space<vmem>>)
      tpu.yield
    }) : () -> ()
    %run_scoped3A_3 = arith.constant 1 : i32
    "tpu.region"() ({
      %run_scoped3A_29 = tpu.sem_alloc : memref<!tpu.dma_semaphore, #tpu.memory_space<semaphore_mem>>
      %dma_start3A = arith.constant 0 : i32
      %dma_start3A_30 = arith.constant 0 : i32
      %dma_start3A_31 = tpu.memref_slice %arg3[%run_scoped3A_3, %add3A, %dma_start3A, %dma_start3A_30] : memref<2x32x80x128xi32, #tpu.memory_space<hbm>> -> memref<1x1x80x128xi32, #tpu.memory_space<hbm>>
      %dma_start3A_32 = tpu.memref_squeeze %dma_start3A_31 : memref<1x1x80x128xi32, #tpu.memory_space<hbm>> -> memref<80x128xi32, #tpu.memory_space<hbm>>
      %dma_start3A_33 = arith.constant 0 : i32
      %dma_start3A_34 = arith.constant 0 : i32
      %dma_start3A_35 = tpu.memref_slice %arg3[%run_scoped3A_3, %add3A, %dma_start3A_33, %dma_start3A_34] : memref<2x32x80x128xi32, #tpu.memory_space<hbm>> -> memref<1x1x80x128xi32, #tpu.memory_space<hbm>>
      %dma_start3A_36 = tpu.memref_squeeze %dma_start3A_35 : memref<1x1x80x128xi32, #tpu.memory_space<hbm>> -> memref<80x128xi32, #tpu.memory_space<hbm>>
      tpu.enqueue_dma source(%dma_start3A_36 : memref<80x128xi32, #tpu.memory_space<hbm>>) target(%arg7 : memref<80x128xi32, #tpu.memory_space<vmem>>) target_semaphore(%run_scoped3A_29 : memref<!tpu.dma_semaphore, #tpu.memory_space<semaphore_mem>>)
      %dma_wait3A = arith.constant 0 : i32
      %dma_wait3A_37 = arith.constant 0 : i32
      %dma_wait3A_38 = tpu.memref_slice %arg3[%run_scoped3A_3, %add3A, %dma_wait3A, %dma_wait3A_37] : memref<2x32x80x128xi32, #tpu.memory_space<hbm>> -> memref<1x1x80x128xi32, #tpu.memory_space<hbm>>
      %dma_wait3A_39 = tpu.memref_squeeze %dma_wait3A_38 : memref<1x1x80x128xi32, #tpu.memory_space<hbm>> -> memref<80x128xi32, #tpu.memory_space<hbm>>
      %dma_wait3A_40 = arith.constant 0 : i32
      %dma_wait3A_41 = arith.constant 0 : i32
      %dma_wait3A_42 = tpu.memref_slice %arg3[%run_scoped3A_3, %add3A, %dma_wait3A_40, %dma_wait3A_41] : memref<2x32x80x128xi32, #tpu.memory_space<hbm>> -> memref<1x1x80x128xi32, #tpu.memory_space<hbm>>
      %dma_wait3A_43 = tpu.memref_squeeze %dma_wait3A_42 : memref<1x1x80x128xi32, #tpu.memory_space<hbm>> -> memref<80x128xi32, #tpu.memory_space<hbm>>
      tpu.wait_dma2 semaphore(%run_scoped3A_29 : memref<!tpu.dma_semaphore, #tpu.memory_space<semaphore_mem>>) src(%dma_wait3A_43 : memref<80x128xi32, #tpu.memory_space<hbm>>) dst(%arg7 : memref<80x128xi32, #tpu.memory_space<vmem>>)
      tpu.yield
    }) : () -> ()
    %broadcast_in_dim3A = arith.constant 0.000000e+00 : f32
    %broadcast_in_dim3A_4 = vector.broadcast %broadcast_in_dim3A : f32 to vector<16xf32>
    %scan3A = arith.constant 0 : i32
    %scan3A_5 = arith.constant 0 : i32
    %scan3A_6 = arith.constant 128 : i32
    %scan3A_7 = arith.addi %scan3A_5, %scan3A_6 : i32
    %scan3A_8 = arith.constant 1 : i32
    %scan3A_9 = scf.for %scan3A_29 = %scan3A_5 to %scan3A_7 step %scan3A_8 iter_args(%scan3A_30 = %scan3A) -> (i32)  : i32 {
      %swap3A = arith.index_cast %scan3A_29 : i32 to index
      %swap3A_31 = arith.constant 0 : index
      %swap3A_32 = tpu.vector_load %arg8[%swap3A, %swap3A_31] {strides = array<i32>} : memref<128x128xf32, #tpu.memory_space<vmem>>, vector<1x16xf32>,
      %swap3A_33 = vector.shape_cast %swap3A_32 : vector<1x16xf32> to vector<16xf32>
      %swap3A_34 = vector.shape_cast %broadcast_in_dim3A_4 : vector<16xf32> to vector<1x16xf32>
      tpu.vector_store %arg8[%swap3A, %swap3A_31], %swap3A_34 {strides = array<i32>} : memref<128x128xf32, #tpu.memory_space<vmem>>, vector<1x16xf32>,
      %swap3A_35 = arith.index_cast %scan3A_29 : i32 to index
      %swap3A_36 = arith.constant 16 : index
      %swap3A_37 = tpu.vector_load %arg8[%swap3A_35, %swap3A_36] {strides = array<i32>} : memref<128x128xf32, #tpu.memory_space<vmem>>, vector<1x16xf32>,
      %swap3A_38 = vector.shape_cast %swap3A_37 : vector<1x16xf32> to vector<16xf32>
      %swap3A_39 = vector.shape_cast %broadcast_in_dim3A_4 : vector<16xf32> to vector<1x16xf32>
      tpu.vector_store %arg8[%swap3A_35, %swap3A_36], %swap3A_39 {strides = array<i32>} : memref<128x128xf32, #tpu.memory_space<vmem>>, vector<1x16xf32>,
      %swap3A_40 = arith.index_cast %scan3A_29 : i32 to index
      %swap3A_41 = arith.constant 32 : index
      %swap3A_42 = tpu.vector_load %arg8[%swap3A_40, %swap3A_41] {strides = array<i32>} : memref<128x128xf32, #tpu.memory_space<vmem>>, vector<1x16xf32>,
      %swap3A_43 = vector.shape_cast %swap3A_42 : vector<1x16xf32> to vector<16xf32>
      %swap3A_44 = vector.shape_cast %broadcast_in_dim3A_4 : vector<16xf32> to vector<1x16xf32>
      tpu.vector_store %arg8[%swap3A_40, %swap3A_41], %swap3A_44 {strides = array<i32>} : memref<128x128xf32, #tpu.memory_space<vmem>>, vector<1x16xf32>,
      %swap3A_45 = arith.index_cast %scan3A_29 : i32 to index
      %swap3A_46 = arith.constant 48 : index
      %swap3A_47 = tpu.vector_load %arg8[%swap3A_45, %swap3A_46] {strides = array<i32>} : memref<128x128xf32, #tpu.memory_space<vmem>>, vector<1x16xf32>,
      %swap3A_48 = vector.shape_cast %swap3A_47 : vector<1x16xf32> to vector<16xf32>
      %swap3A_49 = vector.shape_cast %broadcast_in_dim3A_4 : vector<16xf32> to vector<1x16xf32>
      tpu.vector_store %arg8[%swap3A_45, %swap3A_46], %swap3A_49 {strides = array<i32>} : memref<128x128xf32, #tpu.memory_space<vmem>>, vector<1x16xf32>,
      %swap3A_50 = arith.index_cast %scan3A_29 : i32 to index
      %swap3A_51 = arith.constant 64 : index
      %swap3A_52 = tpu.vector_load %arg8[%swap3A_50, %swap3A_51] {strides = array<i32>} : memref<128x128xf32, #tpu.memory_space<vmem>>, vector<1x16xf32>,
      %swap3A_53 = vector.shape_cast %swap3A_52 : vector<1x16xf32> to vector<16xf32>
      %swap3A_54 = vector.shape_cast %broadcast_in_dim3A_4 : vector<16xf32> to vector<1x16xf32>
      tpu.vector_store %arg8[%swap3A_50, %swap3A_51], %swap3A_54 {strides = array<i32>} : memref<128x128xf32, #tpu.memory_space<vmem>>, vector<1x16xf32>,
      %swap3A_55 = arith.index_cast %scan3A_29 : i32 to index
      %swap3A_56 = arith.constant 80 : index
      %swap3A_57 = tpu.vector_load %arg8[%swap3A_55, %swap3A_56] {strides = array<i32>} : memref<128x128xf32, #tpu.memory_space<vmem>>, vector<1x16xf32>,
      %swap3A_58 = vector.shape_cast %swap3A_57 : vector<1x16xf32> to vector<16xf32>
      %swap3A_59 = vector.shape_cast %broadcast_in_dim3A_4 : vector<16xf32> to vector<1x16xf32>
      tpu.vector_store %arg8[%swap3A_55, %swap3A_56], %swap3A_59 {strides = array<i32>} : memref<128x128xf32, #tpu.memory_space<vmem>>, vector<1x16xf32>,
      %swap3A_60 = arith.index_cast %scan3A_29 : i32 to index
      %swap3A_61 = arith.constant 96 : index
      %swap3A_62 = tpu.vector_load %arg8[%swap3A_60, %swap3A_61] {strides = array<i32>} : memref<128x128xf32, #tpu.memory_space<vmem>>, vector<1x16xf32>,
      %swap3A_63 = vector.shape_cast %swap3A_62 : vector<1x16xf32> to vector<16xf32>
      %swap3A_64 = vector.shape_cast %broadcast_in_dim3A_4 : vector<16xf32> to vector<1x16xf32>
      tpu.vector_store %arg8[%swap3A_60, %swap3A_61], %swap3A_64 {strides = array<i32>} : memref<128x128xf32, #tpu.memory_space<vmem>>, vector<1x16xf32>,
      %swap3A_65 = arith.index_cast %scan3A_29 : i32 to index
      %swap3A_66 = arith.constant 112 : index
      %swap3A_67 = tpu.vector_load %arg8[%swap3A_65, %swap3A_66] {strides = array<i32>} : memref<128x128xf32, #tpu.memory_space<vmem>>, vector<1x16xf32>,
      %swap3A_68 = vector.shape_cast %swap3A_67 : vector<1x16xf32> to vector<16xf32>
      %swap3A_69 = vector.shape_cast %broadcast_in_dim3A_4 : vector<16xf32> to vector<1x16xf32>
      tpu.vector_store %arg8[%swap3A_65, %swap3A_66], %swap3A_69 {strides = array<i32>} : memref<128x128xf32, #tpu.memory_space<vmem>>, vector<1x16xf32>,
      %scan3A_70 = arith.constant 0 : i32
      scf.yield %scan3A_70 : i32
    }
    %scan3A_10 = arith.constant 128 : i32
    %add3A_11 = arith.constant 0 : i32
    %add3A_12 = arith.addi %mul3A_2, %add3A_11 : i32
    "tpu.region"() ({
      %run_scoped3A_29 = tpu.sem_alloc : memref<!tpu.dma_semaphore, #tpu.memory_space<semaphore_mem>>
      %dma_start3A = arith.constant 0 : i32
      %dma_start3A_30 = tpu.memref_slice %arg5[%add3A_12, %dma_start3A] : memref<10240x128xf32, #tpu.memory_space<vmem_shared>> -> memref<128x128xf32, #tpu.memory_space<vmem_shared>>
      %dma_start3A_31 = arith.constant 0 : i32
      %dma_start3A_32 = tpu.memref_slice %arg5[%add3A_12, %dma_start3A_31] : memref<10240x128xf32, #tpu.memory_space<vmem_shared>> -> memref<128x128xf32, #tpu.memory_space<vmem_shared>>
      tpu.enqueue_dma source(%arg8 : memref<128x128xf32, #tpu.memory_space<vmem>>) target(%dma_start3A_32 : memref<128x128xf32, #tpu.memory_space<vmem_shared>>) target_semaphore(%run_scoped3A_29 : memref<!tpu.dma_semaphore, #tpu.memory_space<semaphore_mem>>)
      %dma_wait3A = arith.constant 0 : i32
      %dma_wait3A_33 = tpu.memref_slice %arg5[%add3A_12, %dma_wait3A] : memref<10240x128xf32, #tpu.memory_space<vmem_shared>> -> memref<128x128xf32, #tpu.memory_space<vmem_shared>>
      %dma_wait3A_34 = arith.constant 0 : i32
      %dma_wait3A_35 = tpu.memref_slice %arg5[%add3A_12, %dma_wait3A_34] : memref<10240x128xf32, #tpu.memory_space<vmem_shared>> -> memref<128x128xf32, #tpu.memory_space<vmem_shared>>
      tpu.wait_dma2 semaphore(%run_scoped3A_29 : memref<!tpu.dma_semaphore, #tpu.memory_space<semaphore_mem>>) src(%arg8 : memref<128x128xf32, #tpu.memory_space<vmem>>) dst(%dma_wait3A_35 : memref<128x128xf32, #tpu.memory_space<vmem_shared>>)
      tpu.yield
    }) : () -> ()
    %add3A_13 = arith.constant 128 : i32
    %add3A_14 = arith.addi %mul3A_2, %add3A_13 : i32
    "tpu.region"() ({
      %run_scoped3A_29 = tpu.sem_alloc : memref<!tpu.dma_semaphore, #tpu.memory_space<semaphore_mem>>
      %dma_start3A = arith.constant 0 : i32
      %dma_start3A_30 = tpu.memref_slice %arg5[%add3A_14, %dma_start3A] : memref<10240x128xf32, #tpu.memory_space<vmem_shared>> -> memref<128x128xf32, #tpu.memory_space<vmem_shared>>
      %dma_start3A_31 = arith.constant 0 : i32
      %dma_start3A_32 = tpu.memref_slice %arg5[%add3A_14, %dma_start3A_31] : memref<10240x128xf32, #tpu.memory_space<vmem_shared>> -> memref<128x128xf32, #tpu.memory_space<vmem_shared>>
      tpu.enqueue_dma source(%arg8 : memref<128x128xf32, #tpu.memory_space<vmem>>) target(%dma_start3A_32 : memref<128x128xf32, #tpu.memory_space<vmem_shared>>) target_semaphore(%run_scoped3A_29 : memref<!tpu.dma_semaphore, #tpu.memory_space<semaphore_mem>>)
      %dma_wait3A = arith.constant 0 : i32
      %dma_wait3A_33 = tpu.memref_slice %arg5[%add3A_14, %dma_wait3A] : memref<10240x128xf32, #tpu.memory_space<vmem_shared>> -> memref<128x128xf32, #tpu.memory_space<vmem_shared>>
      %dma_wait3A_34 = arith.constant 0 : i32
      %dma_wait3A_35 = tpu.memref_slice %arg5[%add3A_14, %dma_wait3A_34] : memref<10240x128xf32, #tpu.memory_space<vmem_shared>> -> memref<128x128xf32, #tpu.memory_space<vmem_shared>>
      tpu.wait_dma2 semaphore(%run_scoped3A_29 : memref<!tpu.dma_semaphore, #tpu.memory_space<semaphore_mem>>) src(%arg8 : memref<128x128xf32, #tpu.memory_space<vmem>>) dst(%dma_wait3A_35 : memref<128x128xf32, #tpu.memory_space<vmem_shared>>)
      tpu.yield
    }) : () -> ()
    %add3A_15 = arith.constant 256 : i32
    %add3A_16 = arith.addi %mul3A_2, %add3A_15 : i32
    "tpu.region"() ({
      %run_scoped3A_29 = tpu.sem_alloc : memref<!tpu.dma_semaphore, #tpu.memory_space<semaphore_mem>>
      %dma_start3A = arith.constant 0 : i32
      %dma_start3A_30 = tpu.memref_slice %arg5[%add3A_16, %dma_start3A] : memref<10240x128xf32, #tpu.memory_space<vmem_shared>> -> memref<128x128xf32, #tpu.memory_space<vmem_shared>>
      %dma_start3A_31 = arith.constant 0 : i32
      %dma_start3A_32 = tpu.memref_slice %arg5[%add3A_16, %dma_start3A_31] : memref<10240x128xf32, #tpu.memory_space<vmem_shared>> -> memref<128x128xf32, #tpu.memory_space<vmem_shared>>
      tpu.enqueue_dma source(%arg8 : memref<128x128xf32, #tpu.memory_space<vmem>>) target(%dma_start3A_32 : memref<128x128xf32, #tpu.memory_space<vmem_shared>>) target_semaphore(%run_scoped3A_29 : memref<!tpu.dma_semaphore, #tpu.memory_space<semaphore_mem>>)
      %dma_wait3A = arith.constant 0 : i32
      %dma_wait3A_33 = tpu.memref_slice %arg5[%add3A_16, %dma_wait3A] : memref<10240x128xf32, #tpu.memory_space<vmem_shared>> -> memref<128x128xf32, #tpu.memory_space<vmem_shared>>
      %dma_wait3A_34 = arith.constant 0 : i32
      %dma_wait3A_35 = tpu.memref_slice %arg5[%add3A_16, %dma_wait3A_34] : memref<10240x128xf32, #tpu.memory_space<vmem_shared>> -> memref<128x128xf32, #tpu.memory_space<vmem_shared>>
      tpu.wait_dma2 semaphore(%run_scoped3A_29 : memref<!tpu.dma_semaphore, #tpu.memory_space<semaphore_mem>>) src(%arg8 : memref<128x128xf32, #tpu.memory_space<vmem>>) dst(%dma_wait3A_35 : memref<128x128xf32, #tpu.memory_space<vmem_shared>>)
      tpu.yield
    }) : () -> ()
    %add3A_17 = arith.constant 384 : i32
    %add3A_18 = arith.addi %mul3A_2, %add3A_17 : i32
    "tpu.region"() ({
      %run_scoped3A_29 = tpu.sem_alloc : memref<!tpu.dma_semaphore, #tpu.memory_space<semaphore_mem>>
      %dma_start3A = arith.constant 0 : i32
      %dma_start3A_30 = tpu.memref_slice %arg5[%add3A_18, %dma_start3A] : memref<10240x128xf32, #tpu.memory_space<vmem_shared>> -> memref<128x128xf32, #tpu.memory_space<vmem_shared>>
      %dma_start3A_31 = arith.constant 0 : i32
      %dma_start3A_32 = tpu.memref_slice %arg5[%add3A_18, %dma_start3A_31] : memref<10240x128xf32, #tpu.memory_space<vmem_shared>> -> memref<128x128xf32, #tpu.memory_space<vmem_shared>>
      tpu.enqueue_dma source(%arg8 : memref<128x128xf32, #tpu.memory_space<vmem>>) target(%dma_start3A_32 : memref<128x128xf32, #tpu.memory_space<vmem_shared>>) target_semaphore(%run_scoped3A_29 : memref<!tpu.dma_semaphore, #tpu.memory_space<semaphore_mem>>)
      %dma_wait3A = arith.constant 0 : i32
      %dma_wait3A_33 = tpu.memref_slice %arg5[%add3A_18, %dma_wait3A] : memref<10240x128xf32, #tpu.memory_space<vmem_shared>> -> memref<128x128xf32, #tpu.memory_space<vmem_shared>>
      %dma_wait3A_34 = arith.constant 0 : i32
      %dma_wait3A_35 = tpu.memref_slice %arg5[%add3A_18, %dma_wait3A_34] : memref<10240x128xf32, #tpu.memory_space<vmem_shared>> -> memref<128x128xf32, #tpu.memory_space<vmem_shared>>
      tpu.wait_dma2 semaphore(%run_scoped3A_29 : memref<!tpu.dma_semaphore, #tpu.memory_space<semaphore_mem>>) src(%arg8 : memref<128x128xf32, #tpu.memory_space<vmem>>) dst(%dma_wait3A_35 : memref<128x128xf32, #tpu.memory_space<vmem_shared>>)
      tpu.yield
    }) : () -> ()
    %add3A_19 = arith.constant 512 : i32
    %add3A_20 = arith.addi %mul3A_2, %add3A_19 : i32
    "tpu.region"() ({
      %run_scoped3A_29 = tpu.sem_alloc : memref<!tpu.dma_semaphore, #tpu.memory_space<semaphore_mem>>
      %dma_start3A = arith.constant 0 : i32
      %dma_start3A_30 = tpu.memref_slice %arg5[%add3A_20, %dma_start3A] : memref<10240x128xf32, #tpu.memory_space<vmem_shared>> -> memref<128x128xf32, #tpu.memory_space<vmem_shared>>
      %dma_start3A_31 = arith.constant 0 : i32
      %dma_start3A_32 = tpu.memref_slice %arg5[%add3A_20, %dma_start3A_31] : memref<10240x128xf32, #tpu.memory_space<vmem_shared>> -> memref<128x128xf32, #tpu.memory_space<vmem_shared>>
      tpu.enqueue_dma source(%arg8 : memref<128x128xf32, #tpu.memory_space<vmem>>) target(%dma_start3A_32 : memref<128x128xf32, #tpu.memory_space<vmem_shared>>) target_semaphore(%run_scoped3A_29 : memref<!tpu.dma_semaphore, #tpu.memory_space<semaphore_mem>>)
      %dma_wait3A = arith.constant 0 : i32
      %dma_wait3A_33 = tpu.memref_slice %arg5[%add3A_20, %dma_wait3A] : memref<10240x128xf32, #tpu.memory_space<vmem_shared>> -> memref<128x128xf32, #tpu.memory_space<vmem_shared>>
      %dma_wait3A_34 = arith.constant 0 : i32
      %dma_wait3A_35 = tpu.memref_slice %arg5[%add3A_20, %dma_wait3A_34] : memref<10240x128xf32, #tpu.memory_space<vmem_shared>> -> memref<128x128xf32, #tpu.memory_space<vmem_shared>>
      tpu.wait_dma2 semaphore(%run_scoped3A_29 : memref<!tpu.dma_semaphore, #tpu.memory_space<semaphore_mem>>) src(%arg8 : memref<128x128xf32, #tpu.memory_space<vmem>>) dst(%dma_wait3A_35 : memref<128x128xf32, #tpu.memory_space<vmem_shared>>)
      tpu.yield
    }) : () -> ()
    %barrier3A = arith.constant 0 : index
    tpu.barrier barrier_id(%barrier3A)
    %scan3A_21 = arith.constant 0 : i32
    %scan3A_22 = arith.constant 0 : i32
    %scan3A_23 = arith.constant 80 : i32
    %scan3A_24 = arith.addi %scan3A_22, %scan3A_23 : i32
    %scan3A_25 = arith.constant 1 : i32
    %scan3A_26 = scf.for %scan3A_29 = %scan3A_22 to %scan3A_24 step %scan3A_25 iter_args(%scan3A_30 = %scan3A_21) -> (i32)  : i32 {
      %dma_start3A = arith.constant 0 : i32
      %dma_start3A_31 = tpu.memref_slice %arg6[%scan3A_29, %dma_start3A] : memref<80x128xi32, #tpu.memory_space<vmem>> -> memref<1x128xi32, #tpu.memory_space<vmem>>
      %dma_start3A_32 = tpu.memref_squeeze %dma_start3A_31 : memref<1x128xi32, #tpu.memory_space<vmem>> -> memref<128xi32, #tpu.memory_space<vmem>>
      %dma_start3A_33 = arith.constant 0 : i32
      %dma_start3A_34 = arith.constant 0 : i32
      %dma_start3A_35 = tpu.memref_slice %arg2[%dma_start3A_33, %dma_start3A_34] : memref<10240x128xf32, #tpu.memory_space<hbm>> -> memref<10240x128xf32, #tpu.memory_space<hbm>>
      tpu.enqueue_indirect_dma source(%dma_start3A_35 : memref<10240x128xf32, #tpu.memory_space<hbm>>) target(%arg8 : memref<128x128xf32, #tpu.memory_space<vmem>>) offsets(%dma_start3A_32 : memref<128xi32, #tpu.memory_space<vmem>>) semaphore(%arg9 : memref<!tpu.dma_semaphore, #tpu.memory_space<semaphore_mem>>)
      %dma_wait3A = arith.constant 0 : i32
      %dma_wait3A_36 = tpu.memref_slice %arg6[%scan3A_29, %dma_wait3A] : memref<80x128xi32, #tpu.memory_space<vmem>> -> memref<1x128xi32, #tpu.memory_space<vmem>>
      %dma_wait3A_37 = tpu.memref_squeeze %dma_wait3A_36 : memref<1x128xi32, #tpu.memory_space<vmem>> -> memref<128xi32, #tpu.memory_space<vmem>>
      %dma_wait3A_38 = arith.constant 0 : i32
      %dma_wait3A_39 = arith.constant 0 : i32
      %dma_wait3A_40 = tpu.memref_slice %arg2[%dma_wait3A_38, %dma_wait3A_39] : memref<10240x128xf32, #tpu.memory_space<hbm>> -> memref<10240x128xf32, #tpu.memory_space<hbm>>
      tpu.wait_indirect_dma semaphore(%arg9 : memref<!tpu.dma_semaphore, #tpu.memory_space<semaphore_mem>>) src(%dma_wait3A_40 : memref<10240x128xf32, #tpu.memory_space<hbm>>) dst(%arg8 : memref<128x128xf32, #tpu.memory_space<vmem>>)
      "tpu.region"() ({
        %run_scoped3A_42 = tpu.sem_alloc : memref<!tpu.dma_semaphore, #tpu.memory_space<semaphore_mem>>
        %dma_start3A_43 = arith.constant 0 : i32
        %dma_start3A_44 = tpu.memref_slice %arg7[%scan3A_29, %dma_start3A_43] : memref<80x128xi32, #tpu.memory_space<vmem>> -> memref<1x128xi32, #tpu.memory_space<vmem>>
        %dma_start3A_45 = tpu.memref_squeeze %dma_start3A_44 : memref<1x128xi32, #tpu.memory_space<vmem>> -> memref<128xi32, #tpu.memory_space<vmem>>
        %dma_start3A_46 = arith.constant 0 : i32
        %dma_start3A_47 = arith.constant 0 : i32
        %dma_start3A_48 = tpu.memref_slice %arg5[%dma_start3A_46, %dma_start3A_47] : memref<10240x128xf32, #tpu.memory_space<vmem_shared>> -> memref<10240x128xf32, #tpu.memory_space<vmem_shared>>
        tpu.enqueue_indirect_dma source(%arg8 : memref<128x128xf32, #tpu.memory_space<vmem>>) target(%dma_start3A_48 : memref<10240x128xf32, #tpu.memory_space<vmem_shared>>) offsets(%dma_start3A_45 : memref<128xi32, #tpu.memory_space<vmem>>) semaphore(%run_scoped3A_42 : memref<!tpu.dma_semaphore, #tpu.memory_space<semaphore_mem>>) {add = true}
        %dma_wait3A_49 = arith.constant 0 : i32
        %dma_wait3A_50 = tpu.memref_slice %arg7[%scan3A_29, %dma_wait3A_49] : memref<80x128xi32, #tpu.memory_space<vmem>> -> memref<1x128xi32, #tpu.memory_space<vmem>>
        %dma_wait3A_51 = tpu.memref_squeeze %dma_wait3A_50 : memref<1x128xi32, #tpu.memory_space<vmem>> -> memref<128xi32, #tpu.memory_space<vmem>>
        %dma_wait3A_52 = arith.constant 0 : i32
        %dma_wait3A_53 = arith.constant 0 : i32
        %dma_wait3A_54 = tpu.memref_slice %arg5[%dma_wait3A_52, %dma_wait3A_53] : memref<10240x128xf32, #tpu.memory_space<vmem_shared>> -> memref<10240x128xf32, #tpu.memory_space<vmem_shared>>
        tpu.wait_indirect_dma semaphore(%run_scoped3A_42 : memref<!tpu.dma_semaphore, #tpu.memory_space<semaphore_mem>>) src(%arg8 : memref<128x128xf32, #tpu.memory_space<vmem>>) dst(%dma_wait3A_54 : memref<10240x128xf32, #tpu.memory_space<vmem_shared>>)
        tpu.yield
      }) : () -> ()
      %scan3A_41 = arith.constant 0 : i32
      scf.yield %scan3A_41 : i32
    }
    %scan3A_27 = arith.constant 80 : i32
    %barrier3A_28 = arith.constant 0 : index
    tpu.barrier barrier_id(%barrier3A_28)
    "tpu.region"() ({
      %run_scoped3A_29 = tpu.sem_alloc : memref<!tpu.dma_semaphore, #tpu.memory_space<semaphore_mem>>
      %dma_start3A = arith.constant 0 : i32
      %dma_start3A_30 = arith.constant 0 : i32
      %dma_start3A_31 = tpu.memref_slice %arg4[%arg0, %arg1, %dma_start3A, %dma_start3A_30] : memref<2x16x640x128xf32, #tpu.memory_space<hbm>> -> memref<1x1x640x128xf32, #tpu.memory_space<hbm>>
      %dma_start3A_32 = tpu.memref_squeeze %dma_start3A_31 : memref<1x1x640x128xf32, #tpu.memory_space<hbm>> -> memref<640x128xf32, #tpu.memory_space<hbm>>
      %dma_start3A_33 = arith.constant 0 : i32
      %dma_start3A_34 = tpu.memref_slice %arg5[%mul3A_2, %dma_start3A_33] : memref<10240x128xf32, #tpu.memory_space<vmem_shared>> -> memref<640x128xf32, #tpu.memory_space<vmem_shared>>
      tpu.enqueue_dma source(%dma_start3A_34 : memref<640x128xf32, #tpu.memory_space<vmem_shared>>) target(%dma_start3A_32 : memref<640x128xf32, #tpu.memory_space<hbm>>) target_semaphore(%run_scoped3A_29 : memref<!tpu.dma_semaphore, #tpu.memory_space<semaphore_mem>>)
      %dma_wait3A = arith.constant 0 : i32
      %dma_wait3A_35 = arith.constant 0 : i32
      %dma_wait3A_36 = tpu.memref_slice %arg4[%arg0, %arg1, %dma_wait3A, %dma_wait3A_35] : memref<2x16x640x128xf32, #tpu.memory_space<hbm>> -> memref<1x1x640x128xf32, #tpu.memory_space<hbm>>
      %dma_wait3A_37 = tpu.memref_squeeze %dma_wait3A_36 : memref<1x1x640x128xf32, #tpu.memory_space<hbm>> -> memref<640x128xf32, #tpu.memory_space<hbm>>
      %dma_wait3A_38 = arith.constant 0 : i32
      %dma_wait3A_39 = tpu.memref_slice %arg5[%mul3A_2, %dma_wait3A_38] : memref<10240x128xf32, #tpu.memory_space<vmem_shared>> -> memref<640x128xf32, #tpu.memory_space<vmem_shared>>
      tpu.wait_dma2 semaphore(%run_scoped3A_29 : memref<!tpu.dma_semaphore, #tpu.memory_space<semaphore_mem>>) src(%dma_wait3A_39 : memref<640x128xf32, #tpu.memory_space<vmem_shared>>) dst(%dma_wait3A_37 : memref<640x128xf32, #tpu.memory_space<hbm>>)
      tpu.yield
    }) : () -> ()
    return
  }
}

module attributes {stable_mosaic.version = 14 : i64} {
  func.func @_pre_body(%arg0: memref<10000x128xf32, #tpu.memory_space<vmem>>, %arg1: memref<2x10000x1xf32, #tpu.memory_space<vmem>>, %arg2: memref<10240x128xf32, #tpu.memory_space<vmem>>, %arg3: memref<10000x1xf32, #tpu.memory_space<vmem>>, %arg4: memref<10000x1xf32, #tpu.memory_space<vmem>>) attributes {dimension_semantics = [], scalar_prefetch = 0 : i64, scratch_operands = 0 : i64, tpu.core_type = #tpu.core_type<tc>} {
    %get3A = arith.constant 0 : index
    %get3A_0 = arith.constant 0 : index
    %get3A_1 = arith.constant 0 : index
    %get3A_2 = vector.load %arg1[%get3A, %get3A_0, %get3A_1] : memref<2x10000x1xf32, #tpu.memory_space<vmem>>, vector<1x10000x1xf32>
    %get3A_3 = vector.shape_cast %get3A_2 : vector<1x10000x1xf32> to vector<10000x1xf32>
    %get3A_4 = arith.constant 1 : index
    %get3A_5 = arith.constant 0 : index
    %get3A_6 = arith.constant 0 : index
    %get3A_7 = vector.load %arg1[%get3A_4, %get3A_5, %get3A_6] : memref<2x10000x1xf32, #tpu.memory_space<vmem>>, vector<1x10000x1xf32>
    %get3A_8 = vector.shape_cast %get3A_7 : vector<1x10000x1xf32> to vector<10000x1xf32>
    %add3A = arith.addf %get3A_3, %get3A_8 : vector<10000x1xf32>
    %floor3A = math.floor %add3A : vector<10000x1xf32>
    %sub3A = arith.subf %add3A, %floor3A : vector<10000x1xf32>
    %mul3A = arith.constant 4.096000e+03 : f32
    %mul3A_9 = vector.broadcast %mul3A : f32 to vector<10000x1xf32>
    %mul3A_10 = arith.mulf %sub3A, %mul3A_9 : vector<10000x1xf32>
    %max3A = arith.constant 1.000000e+00 : f32
    %max3A_11 = vector.broadcast %max3A : f32 to vector<10000x1xf32>
    %max3A_12 = arith.maximumf %floor3A, %max3A_11 : vector<10000x1xf32>
    %rsqrt3A = math.rsqrt %max3A_12 : vector<10000x1xf32>
    %max3A_13 = arith.constant 1.000000e+00 : f32
    %max3A_14 = vector.broadcast %max3A_13 : f32 to vector<10000x1xf32>
    %max3A_15 = arith.maximumf %mul3A_10, %max3A_14 : vector<10000x1xf32>
    %rsqrt3A_16 = math.rsqrt %max3A_15 : vector<10000x1xf32>
    %swap3A = arith.constant 0 : index
    %swap3A_17 = arith.constant 0 : index
    %swap3A_18 = vector.load %arg3[%swap3A, %swap3A_17] : memref<10000x1xf32, #tpu.memory_space<vmem>>, vector<10000x1xf32>
    tpu.vector_store %arg3[%swap3A, %swap3A_17], %rsqrt3A {strides = array<i32>} : memref<10000x1xf32, #tpu.memory_space<vmem>>, vector<10000x1xf32>,
    %swap3A_19 = arith.constant 0 : index
    %swap3A_20 = arith.constant 0 : index
    %swap3A_21 = vector.load %arg4[%swap3A_19, %swap3A_20] : memref<10000x1xf32, #tpu.memory_space<vmem>>, vector<10000x1xf32>
    tpu.vector_store %arg4[%swap3A_19, %swap3A_20], %rsqrt3A_16 {strides = array<i32>} : memref<10000x1xf32, #tpu.memory_space<vmem>>, vector<10000x1xf32>,
    %get3A_22 = arith.constant 0 : index
    %get3A_23 = arith.constant 0 : index
    %get3A_24 = vector.load %arg0[%get3A_22, %get3A_23] : memref<10000x128xf32, #tpu.memory_space<vmem>>, vector<10000x128xf32>
    %mul3A_25 = vector.broadcast %rsqrt3A : vector<10000x1xf32> to vector<10000x128xf32>
    %mul3A_26 = arith.mulf %get3A_24, %mul3A_25 : vector<10000x128xf32>
    %swap3A_27 = arith.constant 0 : index
    %swap3A_28 = arith.constant 0 : index
    %swap3A_29 = vector.load %arg2[%swap3A_27, %swap3A_28] : memref<10240x128xf32, #tpu.memory_space<vmem>>, vector<10000x128xf32>
    tpu.vector_store %arg2[%swap3A_27, %swap3A_28], %mul3A_26 {strides = array<i32>} : memref<10240x128xf32, #tpu.memory_space<vmem>>, vector<10000x128xf32>,
    %broadcast_in_dim3A = arith.constant 0.000000e+00 : f32
    %broadcast_in_dim3A_30 = vector.broadcast %broadcast_in_dim3A : f32 to vector<240x128xf32>
    %swap3A_31 = arith.constant 10000 : index
    %swap3A_32 = arith.constant 0 : index
    %swap3A_33 = vector.load %arg2[%swap3A_31, %swap3A_32] : memref<10240x128xf32, #tpu.memory_space<vmem>>, vector<240x128xf32>
    tpu.vector_store %arg2[%swap3A_31, %swap3A_32], %broadcast_in_dim3A_30 {strides = array<i32>} : memref<10240x128xf32, #tpu.memory_space<vmem>>, vector<240x128xf32>,
    return
  }
}

module attributes {stable_mosaic.version = 14 : i64} {
  func.func @_layer1_body(%arg0: memref<2x10000x128xf32, #tpu.memory_space<vmem>>, %arg1: memref<10000x1xf32, #tpu.memory_space<vmem>>, %arg2: memref<10000x1xf32, #tpu.memory_space<vmem>>, %arg3: memref<128x128xf32, #tpu.memory_space<vmem>>, %arg4: memref<1x128xf32, #tpu.memory_space<vmem>>, %arg5: memref<1x128xf32, #tpu.memory_space<vmem>>, %arg6: memref<1x128xf32, #tpu.memory_space<vmem>>, %arg7: memref<10000x128xf32, #tpu.memory_space<vmem>>, %arg8: memref<10000x1xf32, #tpu.memory_space<vmem>>, %arg9: memref<10000x128xf32, #tpu.memory_space<vmem>>, %arg10: memref<10240x128xf32, #tpu.memory_space<vmem>>) attributes {dimension_semantics = [], scalar_prefetch = 0 : i64, scratch_operands = 0 : i64, tpu.core_type = #tpu.core_type<tc>} {
    %get3A = arith.constant 0 : index
    %get3A_0 = arith.constant 0 : index
    %get3A_1 = arith.constant 0 : index
    %get3A_2 = vector.load %arg0[%get3A, %get3A_0, %get3A_1] : memref<2x10000x128xf32, #tpu.memory_space<vmem>>, vector<1x10000x128xf32>
    %get3A_3 = vector.shape_cast %get3A_2 : vector<1x10000x128xf32> to vector<10000x128xf32>
    %get3A_4 = arith.constant 1 : index
    %get3A_5 = arith.constant 0 : index
    %get3A_6 = arith.constant 0 : index
    %get3A_7 = vector.load %arg0[%get3A_4, %get3A_5, %get3A_6] : memref<2x10000x128xf32, #tpu.memory_space<vmem>>, vector<1x10000x128xf32>
    %get3A_8 = vector.shape_cast %get3A_7 : vector<1x10000x128xf32> to vector<10000x128xf32>
    %add3A = arith.addf %get3A_3, %get3A_8 : vector<10000x128xf32>
    %get3A_9 = arith.constant 0 : index
    %get3A_10 = arith.constant 0 : index
    %get3A_11 = vector.load %arg1[%get3A_9, %get3A_10] : memref<10000x1xf32, #tpu.memory_space<vmem>>, vector<10000x1xf32>
    %mul3A = vector.broadcast %get3A_11 : vector<10000x1xf32> to vector<10000x128xf32>
    %mul3A_12 = arith.mulf %add3A, %mul3A : vector<10000x128xf32>
    %get3A_13 = arith.constant 0 : index
    %get3A_14 = arith.constant 0 : index
    %get3A_15 = vector.load %arg3[%get3A_13, %get3A_14] : memref<128x128xf32, #tpu.memory_space<vmem>>, vector<128x128xf32>
    %dot_general3A = arith.constant dense<0.000000e+00> : vector<10000x128xf32>
    %dot_general3A_16 = tpu.matmul %mul3A_12, %get3A_15, %dot_general3A {dimension_numbers = #tpu.dot_dimension_numbers<[1], [0], [0], [1], [0, 0, 1, 1], [], []>, transpose_lhs_hint = false} : vector<10000x128xf32>, vector<128x128xf32>, vector<10000x128xf32> -> vector<10000x128xf32>
    %get3A_17 = arith.constant 0 : index
    %get3A_18 = arith.constant 0 : index
    %get3A_19 = vector.load %arg4[%get3A_17, %get3A_18] : memref<1x128xf32, #tpu.memory_space<vmem>>, vector<1x128xf32>
    %add3A_20 = vector.broadcast %get3A_19 : vector<1x128xf32> to vector<10000x128xf32>
    %add3A_21 = arith.addf %dot_general3A_16, %add3A_20 : vector<10000x128xf32>
    %get3A_22 = arith.constant 0 : index
    %get3A_23 = arith.constant 0 : index
    %get3A_24 = vector.load %arg2[%get3A_22, %get3A_23] : memref<10000x1xf32, #tpu.memory_space<vmem>>, vector<10000x1xf32>
    %mul3A_25 = vector.broadcast %get3A_24 : vector<10000x1xf32> to vector<10000x128xf32>
    %mul3A_26 = arith.mulf %add3A_21, %mul3A_25 : vector<10000x128xf32>
    %reduce_sum3A = arith.constant dense<0.000000e+00> : vector<128xf32>
    %reduce_sum3A_27 = vector.multi_reduction <add>, %mul3A_26, %reduce_sum3A [0] : vector<10000x128xf32> to vector<128xf32>
    %broadcast_in_dim3A = vector.shape_cast %reduce_sum3A_27 : vector<128xf32> to vector<1x128xf32>
    %div3A = arith.constant 1.000000e+04 : f32
    %div3A_28 = vector.broadcast %div3A : f32 to vector<1x128xf32>
    %div3A_29 = arith.divf %broadcast_in_dim3A, %div3A_28 : vector<1x128xf32>
    %sub3A = vector.broadcast %div3A_29 : vector<1x128xf32> to vector<10000x128xf32>
    %sub3A_30 = arith.subf %mul3A_26, %sub3A : vector<10000x128xf32>
    %mul3A_31 = arith.mulf %sub3A_30, %sub3A_30 : vector<10000x128xf32>
    %reduce_sum3A_32 = arith.constant dense<0.000000e+00> : vector<128xf32>
    %reduce_sum3A_33 = vector.multi_reduction <add>, %mul3A_31, %reduce_sum3A_32 [0] : vector<10000x128xf32> to vector<128xf32>
    %broadcast_in_dim3A_34 = vector.shape_cast %reduce_sum3A_33 : vector<128xf32> to vector<1x128xf32>
    %div3A_35 = arith.constant 1.000000e+04 : f32
    %div3A_36 = vector.broadcast %div3A_35 : f32 to vector<1x128xf32>
    %div3A_37 = arith.divf %broadcast_in_dim3A_34, %div3A_36 : vector<1x128xf32>
    %add3A_38 = arith.constant 9.99999974E-6 : f32
    %add3A_39 = vector.broadcast %add3A_38 : f32 to vector<1x128xf32>
    %add3A_40 = arith.addf %div3A_37, %add3A_39 : vector<1x128xf32>
    %rsqrt3A = math.rsqrt %add3A_40 : vector<1x128xf32>
    %mul3A_41 = vector.broadcast %rsqrt3A : vector<1x128xf32> to vector<10000x128xf32>
    %mul3A_42 = arith.mulf %sub3A_30, %mul3A_41 : vector<10000x128xf32>
    %get3A_43 = arith.constant 0 : index
    %get3A_44 = arith.constant 0 : index
    %get3A_45 = vector.load %arg5[%get3A_43, %get3A_44] : memref<1x128xf32, #tpu.memory_space<vmem>>, vector<1x128xf32>
    %mul3A_46 = vector.broadcast %get3A_45 : vector<1x128xf32> to vector<10000x128xf32>
    %mul3A_47 = arith.mulf %mul3A_42, %mul3A_46 : vector<10000x128xf32>
    %get3A_48 = arith.constant 0 : index
    %get3A_49 = arith.constant 0 : index
    %get3A_50 = vector.load %arg6[%get3A_48, %get3A_49] : memref<1x128xf32, #tpu.memory_space<vmem>>, vector<1x128xf32>
    %add3A_51 = vector.broadcast %get3A_50 : vector<1x128xf32> to vector<10000x128xf32>
    %add3A_52 = arith.addf %mul3A_47, %add3A_51 : vector<10000x128xf32>
    %get3A_53 = arith.constant 0 : index
    %get3A_54 = arith.constant 0 : index
    %get3A_55 = vector.load %arg7[%get3A_53, %get3A_54] : memref<10000x128xf32, #tpu.memory_space<vmem>>, vector<10000x128xf32>
    %max3A = arith.constant 0.000000e+00 : f32
    %max3A_56 = vector.broadcast %max3A : f32 to vector<10000x128xf32>
    %max3A_57 = arith.maximumf %add3A_52, %max3A_56 : vector<10000x128xf32>
    %add3A_58 = arith.addf %get3A_55, %max3A_57 : vector<10000x128xf32>
    %swap3A = arith.constant 0 : index
    %swap3A_59 = arith.constant 0 : index
    %swap3A_60 = vector.load %arg9[%swap3A, %swap3A_59] : memref<10000x128xf32, #tpu.memory_space<vmem>>, vector<10000x128xf32>
    tpu.vector_store %arg9[%swap3A, %swap3A_59], %add3A_58 {strides = array<i32>} : memref<10000x128xf32, #tpu.memory_space<vmem>>, vector<10000x128xf32>,
    %get3A_61 = arith.constant 0 : index
    %get3A_62 = arith.constant 0 : index
    %get3A_63 = vector.load %arg8[%get3A_61, %get3A_62] : memref<10000x1xf32, #tpu.memory_space<vmem>>, vector<10000x1xf32>
    %mul3A_64 = vector.broadcast %get3A_63 : vector<10000x1xf32> to vector<10000x128xf32>
    %mul3A_65 = arith.mulf %add3A_58, %mul3A_64 : vector<10000x128xf32>
    %swap3A_66 = arith.constant 0 : index
    %swap3A_67 = arith.constant 0 : index
    %swap3A_68 = vector.load %arg10[%swap3A_66, %swap3A_67] : memref<10240x128xf32, #tpu.memory_space<vmem>>, vector<10000x128xf32>
    tpu.vector_store %arg10[%swap3A_66, %swap3A_67], %mul3A_65 {strides = array<i32>} : memref<10240x128xf32, #tpu.memory_space<vmem>>, vector<10000x128xf32>,
    %broadcast_in_dim3A_69 = arith.constant 0.000000e+00 : f32
    %broadcast_in_dim3A_70 = vector.broadcast %broadcast_in_dim3A_69 : f32 to vector<240x128xf32>
    %swap3A_71 = arith.constant 10000 : index
    %swap3A_72 = arith.constant 0 : index
    %swap3A_73 = vector.load %arg10[%swap3A_71, %swap3A_72] : memref<10240x128xf32, #tpu.memory_space<vmem>>, vector<240x128xf32>
    tpu.vector_store %arg10[%swap3A_71, %swap3A_72], %broadcast_in_dim3A_70 {strides = array<i32>} : memref<10240x128xf32, #tpu.memory_space<vmem>>, vector<240x128xf32>,
    return
  }
}

module attributes {stable_mosaic.version = 14 : i64} {
  func.func @_layer2_body(%arg0: memref<2x10000x128xf32, #tpu.memory_space<vmem>>, %arg1: memref<10000x1xf32, #tpu.memory_space<vmem>>, %arg2: memref<10000x1xf32, #tpu.memory_space<vmem>>, %arg3: memref<128x128xf32, #tpu.memory_space<vmem>>, %arg4: memref<1x128xf32, #tpu.memory_space<vmem>>, %arg5: memref<1x128xf32, #tpu.memory_space<vmem>>, %arg6: memref<1x128xf32, #tpu.memory_space<vmem>>, %arg7: memref<10000x128xf32, #tpu.memory_space<vmem>>, %arg8: memref<1x128xf32, #tpu.memory_space<vmem>>) attributes {dimension_semantics = [], scalar_prefetch = 0 : i64, scratch_operands = 0 : i64, tpu.core_type = #tpu.core_type<tc>} {
    %get3A = arith.constant 0 : index
    %get3A_0 = arith.constant 0 : index
    %get3A_1 = arith.constant 0 : index
    %get3A_2 = vector.load %arg0[%get3A, %get3A_0, %get3A_1] : memref<2x10000x128xf32, #tpu.memory_space<vmem>>, vector<1x10000x128xf32>
    %get3A_3 = vector.shape_cast %get3A_2 : vector<1x10000x128xf32> to vector<10000x128xf32>
    %get3A_4 = arith.constant 1 : index
    %get3A_5 = arith.constant 0 : index
    %get3A_6 = arith.constant 0 : index
    %get3A_7 = vector.load %arg0[%get3A_4, %get3A_5, %get3A_6] : memref<2x10000x128xf32, #tpu.memory_space<vmem>>, vector<1x10000x128xf32>
    %get3A_8 = vector.shape_cast %get3A_7 : vector<1x10000x128xf32> to vector<10000x128xf32>
    %add3A = arith.addf %get3A_3, %get3A_8 : vector<10000x128xf32>
    %get3A_9 = arith.constant 0 : index
    %get3A_10 = arith.constant 0 : index
    %get3A_11 = vector.load %arg1[%get3A_9, %get3A_10] : memref<10000x1xf32, #tpu.memory_space<vmem>>, vector<10000x1xf32>
    %mul3A = vector.broadcast %get3A_11 : vector<10000x1xf32> to vector<10000x128xf32>
    %mul3A_12 = arith.mulf %add3A, %mul3A : vector<10000x128xf32>
    %get3A_13 = arith.constant 0 : index
    %get3A_14 = arith.constant 0 : index
    %get3A_15 = vector.load %arg3[%get3A_13, %get3A_14] : memref<128x128xf32, #tpu.memory_space<vmem>>, vector<128x128xf32>
    %dot_general3A = arith.constant dense<0.000000e+00> : vector<10000x128xf32>
    %dot_general3A_16 = tpu.matmul %mul3A_12, %get3A_15, %dot_general3A {dimension_numbers = #tpu.dot_dimension_numbers<[1], [0], [0], [1], [0, 0, 1, 1], [], []>, transpose_lhs_hint = false} : vector<10000x128xf32>, vector<128x128xf32>, vector<10000x128xf32> -> vector<10000x128xf32>
    %get3A_17 = arith.constant 0 : index
    %get3A_18 = arith.constant 0 : index
    %get3A_19 = vector.load %arg4[%get3A_17, %get3A_18] : memref<1x128xf32, #tpu.memory_space<vmem>>, vector<1x128xf32>
    %add3A_20 = vector.broadcast %get3A_19 : vector<1x128xf32> to vector<10000x128xf32>
    %add3A_21 = arith.addf %dot_general3A_16, %add3A_20 : vector<10000x128xf32>
    %get3A_22 = arith.constant 0 : index
    %get3A_23 = arith.constant 0 : index
    %get3A_24 = vector.load %arg2[%get3A_22, %get3A_23] : memref<10000x1xf32, #tpu.memory_space<vmem>>, vector<10000x1xf32>
    %mul3A_25 = vector.broadcast %get3A_24 : vector<10000x1xf32> to vector<10000x128xf32>
    %mul3A_26 = arith.mulf %add3A_21, %mul3A_25 : vector<10000x128xf32>
    %reduce_sum3A = arith.constant dense<0.000000e+00> : vector<128xf32>
    %reduce_sum3A_27 = vector.multi_reduction <add>, %mul3A_26, %reduce_sum3A [0] : vector<10000x128xf32> to vector<128xf32>
    %broadcast_in_dim3A = vector.shape_cast %reduce_sum3A_27 : vector<128xf32> to vector<1x128xf32>
    %div3A = arith.constant 1.000000e+04 : f32
    %div3A_28 = vector.broadcast %div3A : f32 to vector<1x128xf32>
    %div3A_29 = arith.divf %broadcast_in_dim3A, %div3A_28 : vector<1x128xf32>
    %sub3A = vector.broadcast %div3A_29 : vector<1x128xf32> to vector<10000x128xf32>
    %sub3A_30 = arith.subf %mul3A_26, %sub3A : vector<10000x128xf32>
    %mul3A_31 = arith.mulf %sub3A_30, %sub3A_30 : vector<10000x128xf32>
    %reduce_sum3A_32 = arith.constant dense<0.000000e+00> : vector<128xf32>
    %reduce_sum3A_33 = vector.multi_reduction <add>, %mul3A_31, %reduce_sum3A_32 [0] : vector<10000x128xf32> to vector<128xf32>
    %broadcast_in_dim3A_34 = vector.shape_cast %reduce_sum3A_33 : vector<128xf32> to vector<1x128xf32>
    %div3A_35 = arith.constant 1.000000e+04 : f32
    %div3A_36 = vector.broadcast %div3A_35 : f32 to vector<1x128xf32>
    %div3A_37 = arith.divf %broadcast_in_dim3A_34, %div3A_36 : vector<1x128xf32>
    %add3A_38 = arith.constant 9.99999974E-6 : f32
    %add3A_39 = vector.broadcast %add3A_38 : f32 to vector<1x128xf32>
    %add3A_40 = arith.addf %div3A_37, %add3A_39 : vector<1x128xf32>
    %rsqrt3A = math.rsqrt %add3A_40 : vector<1x128xf32>
    %mul3A_41 = vector.broadcast %rsqrt3A : vector<1x128xf32> to vector<10000x128xf32>
    %mul3A_42 = arith.mulf %sub3A_30, %mul3A_41 : vector<10000x128xf32>
    %get3A_43 = arith.constant 0 : index
    %get3A_44 = arith.constant 0 : index
    %get3A_45 = vector.load %arg5[%get3A_43, %get3A_44] : memref<1x128xf32, #tpu.memory_space<vmem>>, vector<1x128xf32>
    %mul3A_46 = vector.broadcast %get3A_45 : vector<1x128xf32> to vector<10000x128xf32>
    %mul3A_47 = arith.mulf %mul3A_42, %mul3A_46 : vector<10000x128xf32>
    %get3A_48 = arith.constant 0 : index
    %get3A_49 = arith.constant 0 : index
    %get3A_50 = vector.load %arg6[%get3A_48, %get3A_49] : memref<1x128xf32, #tpu.memory_space<vmem>>, vector<1x128xf32>
    %add3A_51 = vector.broadcast %get3A_50 : vector<1x128xf32> to vector<10000x128xf32>
    %add3A_52 = arith.addf %mul3A_47, %add3A_51 : vector<10000x128xf32>
    %get3A_53 = arith.constant 0 : index
    %get3A_54 = arith.constant 0 : index
    %get3A_55 = vector.load %arg7[%get3A_53, %get3A_54] : memref<10000x128xf32, #tpu.memory_space<vmem>>, vector<10000x128xf32>
    %max3A = arith.constant 0.000000e+00 : f32
    %max3A_56 = vector.broadcast %max3A : f32 to vector<10000x128xf32>
    %max3A_57 = arith.maximumf %add3A_52, %max3A_56 : vector<10000x128xf32>
    %add3A_58 = arith.addf %get3A_55, %max3A_57 : vector<10000x128xf32>
    %reduce_sum3A_59 = arith.constant dense<0.000000e+00> : vector<128xf32>
    %reduce_sum3A_60 = vector.multi_reduction <add>, %add3A_58, %reduce_sum3A_59 [0] : vector<10000x128xf32> to vector<128xf32>
    %broadcast_in_dim3A_61 = vector.shape_cast %reduce_sum3A_60 : vector<128xf32> to vector<1x128xf32>
    %div3A_62 = arith.constant 1.000000e+04 : f32
    %div3A_63 = vector.broadcast %div3A_62 : f32 to vector<1x128xf32>
    %div3A_64 = arith.divf %broadcast_in_dim3A_61, %div3A_63 : vector<1x128xf32>
    %swap3A = arith.constant 0 : index
    %swap3A_65 = arith.constant 0 : index
    %swap3A_66 = vector.load %arg8[%swap3A, %swap3A_65] : memref<1x128xf32, #tpu.memory_space<vmem>>, vector<1x128xf32>
    tpu.vector_store %arg8[%swap3A, %swap3A_65], %div3A_64 {strides = array<i32>} : memref<1x128xf32, #tpu.memory_space<vmem>>, vector<1x128xf32>,
    return
  }
}

</mosaic_0001>

<sc_bundles>
// kernel: kernel.11.cloned.1.call-start
scs
__scs_entry_jumppad:
0x0: {  	(pc) =	sbr.rel $0x88, $3  }
0x1: {  	(tag) =	ssettag $0x0;
	lr =	simm.s32 $0x1  }
0x2: {  	[smem:$0x3F96] =	sst lr;
	_ =	strace $0xD0000000  }
0x3: {  	_ = 	snop  }
0x4: {  	_ = 	snop  }
0x5: {  	_ = 	snop  }
0x6: {  	_ = 	snop  }
0x7: {  	_ = 	snop  }
__scs_overlays_trampoline_lowered:
0x8: {  	[smem:$0x3FA5] =	sst s0  }
0x9: {  	[smem:$0x3FA6] =	sst s1  }
0xa: {  	[smem:$0x3FA7] =	sst s2  }
0xb: {  	[smem:$0x3FA8] =	sst s3  }
0xc: {  	[smem:$0x3FA9] =	sst s4  }
0xd: {  	[smem:$0x3FAA] =	sst s5  }
0xe: {  	[smem:$0x3FAB] =	sst s6  }
0xf: {  	[smem:$0x3FAC] =	sst s7  }
0x10: {  	[smem:$0x3FAD] =	sst s8  }
0x11: {  	[smem:$0x3FAE] =	sst s9;
	s0 =	simm.s32 @!p0 $0x0  }
0x12: {  	s1 =	sld [smem:$0x3F94];
	s0 =	simm.s32 @p0 $0x1  }
0x13: {  	[smem:$0x3FAF] =	sst s0;
	s0 =	simm.s32 @!p1 $0x0  }
0x14: {  	s2 =	sld [smem:$0x3F93];
	s0 =	simm.s32 @p1 $0x1  }
0x15: {  	[smem:$0x3FB0] =	sst s0;
	s0 =	simm.s32 @!p2 $0x0  }
0x16: {  	s3 =	sld [smem:$0x3FDB];
	s0 =	simm.s32 @p2 $0x1  }
0x17: {  	s4 =	simm.s32 $0x1BF5;
	[smem:$0x3FB2] =	sst s0  }
0x18: {  	s0 =	sld [smem:$0x3F95];
	_ =	swait.ge [sflag:s4], $0x0  }
0x19: {  	s7 =	sld [smem:$0x3F96]  }
0x1a: {  	s8 =	sadd.s32 $0xFFFFE003, lr  }
0x1b: {  	s9 =	sadd.s32 $0xFFFFFEF7, lr;
	s5 =	simm.s32 $0xFFFFFFFF;
	p2 =	slt.u32 s8, $0xFFFFF086  }
0x1c: {  	p1 =	slt.u32 s9, $0xF7A;
	s5 =	simm.s32 @!p2 $0x0  }
0x1d: {  	s5 =	simm.s32 @p1 $0x1;
	p0 =	seq.s32 s7, s2  }
0x1e: {  	s7 =	smul.u32 @!p0 $0xF7A, s2;
	p2 =	seq.s32 @!p0 s5, $0x0  }
0x1f: {  	s9 =	smul.u32 $0xF7A, s1;
	s8 =	simm.s32 @!p0 $0x1BF5;
	p2 =	por !p2, p0  }
0x20: {  	[sflag:s8] =	ssyncset.s32 @!p0 $0xFFFFF086;
	s6 =	sadd.s32 @!p0 s3, s7;
	s7 =	simm.s32 @!p0 $0x108  }
0x21: {  	s3 =	sadd.s32 s3, s9;
	s6 =	sadd.s32 @!p0 $0x88, s6;
	s7 =	simm.s32 @p2 $0x1082  }
0x22: {  	[simem:s7], [sflag:s8] =	dma.local @!p0 [hbm:s6], $0xF7A  }
0x23: {  	s9 =	sor.u32 $0xD0000000, s2;
	s6 =	simm.s32 $0x108;
	_ =	swait.ge @!p0 [sflag:s8], $0x0  }
0x24: {  	s3 =	sadd.s32 $0x88, s3;
	s6 =	simm.s32 @!p1 $0x1082;
	[sflag:s4] =	ssyncset.s32 $0xFFFFF086  }
0x25: {  	[simem:s6], [sflag:s4] =	dma.local [hbm:s3], $0xF7A  }
0x26: {  	[smem:$0x3F96] =	sst s1;
	(tag) =	ssettag s2;
	_ =	strace s9  }
0x27: {  	s1 =	sld [smem:$0x3FA6]  }
0x28: {  	s2 =	sld [smem:$0x3FA7]  }
0x29: {  	s4 =	sld [smem:$0x3FA9]  }
0x2a: {  	p0 =	seq.s32 s5, $0x0;
	s5 =	sld [smem:$0x3FAA]  }
0x2b: {  	s6 =	sld [smem:$0x3FAB]  }
0x2c: {  	s7 =	sld [smem:$0x3FAC]  }
0x2d: {  	s3 =	simm.s32 $0x108;
	s8 =	sld [smem:$0x3FAD]  }
0x2e: {  	s3 =	simm.s32 @!p0 $0x1082;
	s9 =	sld [smem:$0x3FAE]  }
0x2f: {  	lr =	sadd.s32 s0, s3;
	s0 =	sld [smem:$0x3FA5]  }
0x30: {  	s3 =	sld [smem:$0x3FA8]  }
0x31: {  	[smem:$0x3FB1] =	sst s10  }
0x32: {  	s10 =	sld [smem:$0x3FAF];
	_ =	sdelay $0x3  }
0x33: {  	p0 =	seq.s32 s10, $0x1;
	s10 =	sld [smem:$0x3FB1];
	_ =	sdelay $0x3  }
0x34: {  	[smem:$0x3FB1] =	sst s10  }
0x35: {  	s10 =	sld [smem:$0x3FB0];
	_ =	sdelay $0x3  }
0x36: {  	p1 =	seq.s32 s10, $0x1;
	s10 =	sld [smem:$0x3FB1];
	_ =	sdelay $0x3  }
0x37: {  	[smem:$0x3FB1] =	sst s10  }
0x38: {  	s10 =	sld [smem:$0x3FB2]  }
0x39: {  	_ = 	snop;
	(pc) =	sbr.ind lr, $3  }
0x3a: {  	_ = 	snop  }
0x3b: {  	_ = 	snop  }
0x3c: {  	p2 =	seq.s32 s10, $0x1;
	s10 =	sld [smem:$0x3FB1]  }
0x3d: {  	_ =	shalt  }
0x3e: {  	_ =	shalt  }
0x3f: {  	_ =	shalt  }
0x40: {  	_ =	shalt  }
0x41: {  	_ =	shalt  }
0x42: {  	_ =	shalt  }
0x43: {  	_ =	shalt  }
0x44: {  	_ =	shalt  }
0x45: {  	_ =	shalt  }
0x46: {  	_ =	shalt  }
0x47: {  	_ =	shalt  }
0x48: {  	_ =	shalt  }
0x49: {  	_ =	shalt  }
0x4a: {  	_ =	shalt  }
0x4b: {  	_ =	shalt  }
0x4c: {  	_ =	shalt  }
0x4d: {  	_ =	shalt  }
0x4e: {  	_ =	shalt  }
0x4f: {  	_ =	shalt  }
0x50: {  	_ =	shalt  }
0x51: {  	_ =	shalt  }
0x52: {  	_ =	shalt  }
0x53: {  	_ =	shalt  }
0x54: {  	_ =	shalt  }
0x55: {  	_ =	shalt  }
0x56: {  	_ =	shalt  }
0x57: {  	_ =	shalt  }
0x58: {  	_ =	shalt  }
0x59: {  	_ =	shalt  }
0x5a: {  	_ =	shalt  }
0x5b: {  	_ =	shalt  }
0x5c: {  	_ =	shalt  }
0x5d: {  	_ =	shalt  }
0x5e: {  	_ =	shalt  }
0x5f: {  	_ =	shalt  }
0x60: {  	_ =	shalt  }
0x61: {  	_ =	shalt  }
0x62: {  	_ =	shalt  }
0x63: {  	_ =	shalt  }
0x64: {  	_ =	shalt  }
0x65: {  	_ =	shalt  }
0x66: {  	_ =	shalt  }
0x67: {  	_ =	shalt  }
0x68: {  	_ =	shalt  }
0x69: {  	_ =	shalt  }
0x6a: {  	_ =	shalt  }
0x6b: {  	_ =	shalt  }
0x6c: {  	_ =	shalt  }
0x6d: {  	_ =	shalt  }
0x6e: {  	_ =	shalt  }
0x6f: {  	_ =	shalt  }
0x70: {  	_ =	shalt  }
0x71: {  	_ =	shalt  }
0x72: {  	_ =	shalt  }
0x73: {  	_ =	shalt  }
0x74: {  	_ =	shalt  }
0x75: {  	_ =	shalt  }
0x76: {  	_ =	shalt  }
0x77: {  	_ =	shalt  }
0x78: {  	_ =	shalt  }
0x79: {  	_ =	shalt  }
0x7a: {  	_ =	shalt  }
0x7b: {  	_ =	shalt  }
0x7c: {  	_ =	shalt  }
0x7d: {  	_ =	shalt  }
0x7e: {  	_ =	shalt  }
0x7f: {  	_ =	shalt  }
0x80: {  	_ =	shalt  }
0x81: {  	_ =	shalt  }
0x82: {  	_ =	shalt  }
0x83: {  	_ =	shalt  }
0x84: {  	_ =	shalt  }
0x85: {  	_ =	shalt  }
0x86: {  	_ =	shalt  }
0x87: {  	_ =	shalt  }
.Lfunc_end0:
.L_simem_size_0:
called_computation.1_lowered:
.L_overlay_start_0:
0x88: {  	s2 =	sld [smem:$0x3FD9]  }
0x89: {  	s3 =	sld [smem:$0x3FFE];
	_ =	sdelay $0x1  }
0x8a: {  	s1 =	srdreg.scid  }
0x8b: {  	s0 =	sand.u32 $0x1, s1  }
0x8c: {  	s16 =	sshll.u32 s0, $0xA;
	s2 =	sadd.s32 s3, s2  }
0x8d: {  	s2 =	sadd.s32 s2, s16  }
0x8e: {  	[smem:$0x3FBD] =	sst s2  }
0x8f: {  	_ = 	snop  }
0x90: {  	(tm) =	ssettm $0x1  }
0x91: {  	s17 =	sld [smem:$0x3FFB];
	_ =	sdelay $0x3  }
0x92: {  	_ =	strace s17  }
0x93: {  	s2 =	sld [smem:$0x3FFC];
	_ =	sdelay $0x3  }
0x94: {  	_ =	strace s2  }
0x95: {  	s2 =	sld [smem:$0x3FFD];
	_ =	sdelay $0x3  }
0x96: {  	_ =	strace s2  }
0x97: {  	_ =	strace $0x8FFFFFFF  }
0x98: {  	s18 =	sld [smem:$0x3FDB];
	_ =	sdelay $0x1  }
0x99: {  	s19 =	simm.s32 $_scs_section_size  }
0x9a: {  	s4 =	simm.s32 $_size__tile_overlayer_lowered;
	s5 =	simm.s32 $_tile_overlayer_lowered  }
0x9b: {  	s22 =	simm.s32 $0x1BFF;
	s21 =	sshll.u32 s5, $0x1;
	s2 =	sadd.s32 s19, s18  }
0x9c: {  	s6 =	simm.s32 $0x0;
	s20 =	sshll.u32 s4, $0x1;
	s4 =	sadd.s32 s21, s2  }
0x9d: {  	[timem:s6], [sflag:s22] =	dma.local [hbm:s4], s20  }
0x9e: {  	_ =	swait.ge [sflag:s22], s20  }
0x9f: {  	s3 =	ssub.s32 $0x0, s20;
	[sflag:s22] =	ssyncset.done $0x0  }
0xa0: {  	[sflag:s22] =	ssyncadd.s32 s3;
	_ =	sdelay $0x1  }
0xa1: {  	s23 =	simm.s32 $0x1B8B  }
0xa2: {  	_ =	swait.ge [sflag:s23], $0x1  }
0xa3: {  	[sflag:s23] =	ssyncset.done $0x0  }
0xa4: {  	s25 =	simm.s32 $0x1B8E;
	s24 =	sld [smem:$0x3FFE];
	[sflag:s23] =	ssyncadd.s32 $0xFFFFFFFF  }
0xa5: {  	s26 =	simm.s32 $execute0_lowered;
	[smem:$0x3FD2] =	sst s25  }
0xa6: {  	s4 =	sshll.u32 s26, $0x1;
	_ =	strace $0x80000049;
	[dreg:$0x1] =	wrdreg $0xFFFFFFFF  }
0xa7: {  	s28 =	simm.s32 $_size_execute0_lowered;
	s2 =	sadd.s32 s2, s4;
	[dreg:$0x0] =	wrdreg $0x0  }
0xa8: {  	s4 =	sshll.u32 s28, $0x1;
	[dreg:$0x2] =	wrdreg s2  }
0xa9: {  	[dreg:$0x3] =	wrdreg s4  }
0xaa: {  	[dreg:$0x4] =	wrdreg $0xC0  }
0xab: {  	_ =	task [dreg:s6], $0x5FFFF  }
0xac: {  	[dreg:$0x1] =	wrdreg $0xFFFFFFFF  }
0xad: {  	[dreg:$0x0] =	wrdreg $0x60  }
0xae: {  	[dreg:$0x2] =	wrdreg s24  }
0xaf: {  	[dreg:$0x3] =	wrdreg $0x0  }
0xb0: {  	[dreg:$0x4] =	wrdreg $0x9  }
0xb1: {  	_ =	task.clear_ibuf [dreg:s6], $0x5FFFF;
	_ =	strace $0x90000049  }
0xb2: {  	s29 =	simm.s32 $0x9;
	_ =	strace $0x8000004B  }
0xb3: {  	_ =	swait.ge [sflag:s29], $0x1  }
0xb4: {  	[sflag:s29] =	ssyncadd.s32 $0xFFFFFFFF  }
0xb5: {  	_ =	strace $0x9000004B  }
0xb6: {  	_ =	sfence  }
0xb7: {  	s30 =	sld [smem:$0x0];
	_ =	sdelay $0x2  }
0xb8: {  	s31 =	sshll.u32 s1, $0xD;
	s1 =	sshrl.u32 s1, $0x2  }
0xb9: {  	s3 =	sand.u32 $0x4000, s31;
	s1 =	sadd.s32 s1, s30  }
0xba: {  	s0 =	sor.u32 s3, s0;
	s1 =	sshll.u32 s1, $0x11  }
0xbb: {  	s0 =	sor.u32 s1, s0  }
0xbc: {  	s0 =	sadd.s32 $0x8F2B, s0  }
0xbd: {  	[sflag:s0] =	ssyncadd.remote.s32 $0x1  }
0xbe: {  	_ =	sfence.sel $0xFFFF  }
0xbf: {  	[dreg:$0x0] =	wrdreg $0xFFFFFFFF;
	(pc) =	sbr.abs _section_cstart, $3  }
0xc0: {  	[dreg:$0x1] =	wrdreg $0xFFFFFFFF  }
0xc1: {  	_ =	task.clear_ibuf [dreg:s6], $0x2FFFF;
	_ =	strace $0x9FFFFFFF  }
0xc2: {  	(tm) =	ssettm $0x7FFFFFFF  }
0xc3: {  	_ =	shalt  }
tec
execute0_lowered:
.L_overlay_start_1:
0x0: {  	(tag) =	ssettag $0x1  }
0x1: {  	s0 =	srdreg.scid;
	s6 =	rddreg [dreg:$0x0]  }
0x2: {  	s2 =	rddreg [dreg:$0x1];
	s3 =	simm.s32 $0x0;
	s14 =	simm.s32 $0x14000  }
0x3: {  	s15 =	simm.s32 $0x2;
	s16 =	simm.s32 $0x16800;
	s17 =	simm.s32 $0x19000  }
0x4: {  	s18 =	simm.s32 $0x80;
	s19 =	simm.s32 $0x1;
	s5 =	sand.u32 $0x1, s0  }
0x5: {  	s22 =	simm.s32 $0x0;
	s0 =	stileid.u32;
	s8 =	smul.u32 $0x140000, s5  }
0x6: {  	[smem:$0x7FF] =	sst s3;
	s1 =	sshll.u32 s5, $0x4;
	s9 =	smul.u32 $0x14000, s0  }
0x7: {  	s10 =	smul.u32 $0x50000, s0;
	s5 =	ssub.s32 $0x2, s5;
	s20 =	sshll.u32 s0, $0x6  }
0x8: {  	s4 =	sor.u32 s0, s1;
	s1 =	rddreg [dreg:$0x2];
	_ =	strace $0x8000004A  }
0x9: {  	s31 =	sshrl.u32 s5, $0x1;
	s20 =	sor.u32 $0x1C02, s20;
	s7 =	smul.u32 $0x2800, s4  }
0xa: {  	s4 =	sadd.s32 $0x16E00, s6;
	s8 =	sadd.s32 s9, s8;
	s10 =	sshrl.u32 s10, $0x2  }
0xb: {  	s13 =	ssub.s32 s5, s31;
	s8 =	sshrl.u32 s8, $0x3;
	s5 =	sadd.s32 s10, s2  }
0xc: {  	s13 =	smax.u32 s13, $0x1;
	s7 =	sshrl.u32 s7, $0x3;
	s12 =	sadd.s32 s8, s6  }
0xd: {  	s8 =	sadd.s32 $0x4000, s5;
	s9 =	sadd.s32 $0x8000, s5;
	s10 =	sadd.s32 $0xC000, s5  }
0xe: {  	s11 =	sadd.s32 $0x10000, s5;
	s21 =	sshrl.u32 s5, $0x3;
	s7 =	sadd.s32 s7, s6  }
0xf: {  	v0 =	vimm.f32 $0.0e+00;
	s12 =	sadd.s32 $0x66000, s12;
	s6 =	sadd.s32 $0x2E00, s7;
	s7 =	sadd.s32 $0xCE00, s7  }
.LBB2_1:
0x10: {  	[tilespmem:s14], [sflag:$0x2] =	stream.linear.gather [hbm4b:s6+s3], $0x2800, $0x38;
	[tilespmem:$0x1D000] =	vst v63  }
0x11: {  	_ =	swait.ge [sflag:s15], $0x2800  }
0x12: {  	[sflag:s15] =	ssyncset.done $0x0  }
0x13: {  	[sflag:s15] =	ssyncadd.s32 $0xFFFFD800  }
0x14: {  	[tilespmem:s16], [sflag:$0x2] =	stream.linear.gather [hbm4b:s7+s3], $0x2800, $0x38;
	[tilespmem:$0x1D000] =	vst v63  }
0x15: {  	_ =	swait.ge [sflag:s15], $0x2800  }
0x16: {  	[sflag:s15] =	ssyncset.done $0x0  }
0x17: {  	s23 =	simm.s32 $0x0;
	s24 =	simm.s32 $0x200;
	[sflag:s15] =	ssyncadd.s32 $0xFFFFD800  }
.LBB2_2:
0x18: {  	p0 =	sne.s32 s24, $0xFE00;
	[tilespmem:s23+$0x19070] =	vst v0  }
0x19: {  	[tilespmem:s23+$0x19000] =	vst v0  }
0x1a: {  	[tilespmem:s23+$0x19010] =	vst v0  }
.Ltmp0:
0x1b: {  	[tilespmem:s23+$0x19020] =	vst v0;
	(pc) =	sbr.rel @p0 .LBB2_2-.Ltmp0, $4  }
0x1c: {  	[tilespmem:s23+$0x19030] =	vst v0  }
0x1d: {  	[tilespmem:s23+$0x19040] =	vst v0  }
0x1e: {  	[tilespmem:s23+$0x19050] =	vst v0  }
0x1f: {  	[tilespmem:s23+$0x19060] =	vst v0;
	s23 =	sshra.s32 s24, $0x2;
	s24 =	sadd.s32 $0x200, s24  }
0x20: {  	[tilespmem:s23+$0x19070] =	vst v0  }
0x21: {  	[tilespmem:s23+$0x19000] =	vst v0  }
0x22: {  	[tilespmem:s23+$0x19010] =	vst v0  }
0x23: {  	[tilespmem:s23+$0x19020] =	vst v0  }
0x24: {  	[tilespmem:s23+$0x19030] =	vst v0  }
0x25: {  	[tilespmem:s23+$0x19040] =	vst v0  }
0x26: {  	[tilespmem:s23+$0x19050] =	vst v0  }
0x27: {  	[tilespmem:s23+$0x19060] =	vst v0  }
0x28: {  	[spmem:s5] =	stream.linear.scatter [tilespmem:s17], [sflag:$0x2], $0x4000, $0x38;
	[tilespmem:$0x1D000] =	vst v63  }
0x29: {  	_ =	swait.ge [sflag:s15], $0x4000  }
0x2a: {  	[sflag:s15] =	ssyncset.done $0x0  }
0x2b: {  	[sflag:s15] =	ssyncadd.s32 $0xFFFFC000  }
0x2c: {  	[spmem:s8] =	stream.linear.scatter [tilespmem:s17], [sflag:$0x2], $0x4000, $0x38;
	[tilespmem:$0x1D000] =	vst v63  }
0x2d: {  	_ =	swait.ge [sflag:s15], $0x4000  }
0x2e: {  	[sflag:s15] =	ssyncset.done $0x0  }
0x2f: {  	[sflag:s15] =	ssyncadd.s32 $0xFFFFC000  }
0x30: {  	[spmem:s9] =	stream.linear.scatter [tilespmem:s17], [sflag:$0x2], $0x4000, $0x38;
	[tilespmem:$0x1D000] =	vst v63  }
0x31: {  	_ =	swait.ge [sflag:s15], $0x4000  }
0x32: {  	[sflag:s15] =	ssyncset.done $0x0  }
0x33: {  	[sflag:s15] =	ssyncadd.s32 $0xFFFFC000  }
0x34: {  	[spmem:s10] =	stream.linear.scatter [tilespmem:s17], [sflag:$0x2], $0x4000, $0x38;
	[tilespmem:$0x1D000] =	vst v63  }
0x35: {  	_ =	swait.ge [sflag:s15], $0x4000  }
0x36: {  	[sflag:s15] =	ssyncset.done $0x0  }
0x37: {  	[sflag:s15] =	ssyncadd.s32 $0xFFFFC000  }
0x38: {  	[spmem:s11] =	stream.linear.scatter [tilespmem:s17], [sflag:$0x2], $0x4000, $0x38;
	[tilespmem:$0x1D000] =	vst v63  }
0x39: {  	_ =	swait.ge [sflag:s15], $0x4000  }
0x3a: {  	[sflag:s15] =	ssyncset.done $0x0  }
0x3b: {  	[sflag:s15] =	ssyncadd.s32 $0xFFFFC000  }
0x3c: {  	s30 =	simm.s32 $0x14000;
	[bflag:$0x0] =	sbarrier.arrive $0xFFFF  }
0x3d: {  	[tilespmem:s17], [sflag:$0x1] =	stream.indirect.gather [hbm4b:s4+s18], $0x80, s30, s18, $0xb8;
	[tilespmem:$0x1D000] =	vst v63  }
0x3e: {  	_ =	swait.ge [sflag:s19], $0x4000  }
0x3f: {  	[sflag:s19] =	ssyncset.done $0x0  }
0x40: {  	s31 =	simm.s32 $0x16800;
	[sflag:s19] =	ssyncadd.s32 $0xFFFFC000  }
0x41: {  	[spmem:s2] =	stream.indirect.scatter.add.f32 [tilespmem:s17], [sflag:$0x2], $0x80, s31, s18, $0xb8;
	[tilespmem:$0x1D000] =	vst v63  }
0x42: {  	_ =	swait.ge [sflag:s15], $0x4000  }
0x43: {  	s24 =	simm.s32 $0x400;
	s23 =	simm.s32 $0x80;
	[sflag:s15] =	ssyncset.done $0x0  }
.LBB2_4:
0x44: {  	s25 =	sadd.s32 $0x14000, s23  }
0x45: {  	[sflag:s15] =	ssyncadd.s32 $0xFFFFC000;
	s26 =	smov.u32 s24;
	s28 =	sadd.s32 $0x200, s24  }
0x46: {  	[tilespmem:s17], [sflag:$0x1] =	stream.indirect.gather [hbm4b:s4+s18], $0x80, s25, s18, $0xb8;
	[tilespmem:$0x1D000] =	vst v63  }
0x47: {  	p0 =	sne.s32 s24, $0x9E00;
	_ =	swait.ge [sflag:s19], $0x4000  }
.Ltmp1:
0x48: {  	[sflag:s19] =	ssyncset.done $0x0;
	(pc) =	sbr.rel @p0 .LBB2_4-.Ltmp1, $4  }
0x49: {  	s23 =	sadd.s32 $0x16800, s23;
	[sflag:s19] =	ssyncadd.s32 $0xFFFFC000  }
0x4a: {  	[spmem:s2] =	stream.indirect.scatter.add.f32 [tilespmem:s17], [sflag:$0x2], $0x80, s23, s18, $0xb8;
	[tilespmem:$0x1D000] =	vst v63  }
0x4b: {  	_ =	swait.ge [sflag:s15], $0x4000  }
0x4c: {  	s24 =	smov.u32 s28;
	s23 =	sshra.s32 s26, $0x2;
	[sflag:s15] =	ssyncset.done $0x0  }
0x4d: {  	s24 =	sadd.s32 $0x14000, s23;
	[sflag:s15] =	ssyncadd.s32 $0xFFFFC000  }
0x4e: {  	[tilespmem:s17], [sflag:$0x1] =	stream.indirect.gather [hbm4b:s4+s18], $0x80, s24, s18, $0xb8;
	[tilespmem:$0x1D000] =	vst v63  }
0x4f: {  	_ =	swait.ge [sflag:s19], $0x4000  }
0x50: {  	[sflag:s19] =	ssyncset.done $0x0  }
0x51: {  	s31 =	sadd.s32 $0x16800, s23;
	[sflag:s19] =	ssyncadd.s32 $0xFFFFC000  }
0x52: {  	[spmem:s2] =	stream.indirect.scatter.add.f32 [tilespmem:s17], [sflag:$0x2], $0x80, s31, s18, $0xb8;
	[tilespmem:$0x1D000] =	vst v63  }
0x53: {  	_ =	swait.ge [sflag:s15], $0x4000  }
0x54: {  	s22 =	sadd.s32 $0x1, s22;
	[sflag:s15] =	ssyncset.done $0x0  }
0x55: {  	p0 =	sne.s32 s22, s13;
	[sflag:s15] =	ssyncadd.s32 $0xFFFFC000  }
.Ltmp2:
0x56: {  	[bflag:$0x0] =	sbarrier.arrive $0xFFFF;
	(pc) =	sbr.rel @p0 .LBB2_1-.Ltmp2, $4  }
0x57: {  	[hbm:s12], [sflag:s20] =	dma.local [spmem:s21], $0x2800  }
0x58: {  	_ =	swait.ge [sflag:s15], $0x2800  }
0x59: {  	[sflag:s15] =	ssyncset.done $0x0  }
0x5a: {  	[sflag:s15] =	ssyncadd.s32 $0xFFFFD800  }
0x5b: {  	_ =	sfence.sel $0x180000  }
0x5c: {  	[bflag:$0x0] =	sbarrier.arrive $0xFFFF  }
0x5d: {  	p0 =	sne.s32 s0, $0x0;
	_ =	strace $0x9000004A  }
0x5e: {  	s0 =	sadd.s32 @!p0 $0x100000, s1;
	[bflag:$0x2] =	sbarrier.arrive $0xFFFF  }
0x5f: {  	[sflag:s0] =	ssyncadd.tile.s32 @!p0 $0x1;
	_ =	shalt  }
.Lfunc_end2:
_tile_overlayer_lowered:
.L_overlay_start_2:
0x60: {  	(tag) =	ssettag $0x2  }
0x61: {  	s0 =	rddreg [dreg:$0x0];
	s2 =	stileid.u32  }
0x62: {  	s1 =	rddreg [dreg:$0x1];
	p0 =	sne.s32 s2, $0x0  }
0x63: {  	s3 =	rddreg [dreg:$0x2];
	[bflag:$0x3] =	sbarrier.arrive $0xFFFF;
	s2 =	simm.s32 @!p0 $0x1C02  }
0x64: {  	[timem:s3], [sflag:s2] =	dma.local @!p0 [hbm:s0], s1  }
0x65: {  	s0 =	simm.s32 @!p0 $0x2  }
0x66: {  	_ =	swait.ge @!p0 [sflag:s0], s1  }
0x67: {  	s1 =	ssub.s32 @!p0 $0x0, s1;
	[sflag:s0] =	ssyncset.done @!p0 $0x0  }
0x68: {  	[sflag:s0] =	ssyncadd.s32 @!p0 s1  }
0x69: {  	[bflag:$0x3] =	sbarrier.arrive $0xFFFF  }
0x6a: {  	_ =	shalt  }

// kernel: kernel.14.cloned.1.call-start
scs
__scs_entry_jumppad:
0x0: {  	(pc) =	sbr.rel $0x88, $3  }
0x1: {  	(tag) =	ssettag $0x0;
	lr =	simm.s32 $0x1  }
0x2: {  	[smem:$0x3F96] =	sst lr;
	_ =	strace $0xD0000000  }
0x3: {  	_ = 	snop  }
0x4: {  	_ = 	snop  }
0x5: {  	_ = 	snop  }
0x6: {  	_ = 	snop  }
0x7: {  	_ = 	snop  }
__scs_overlays_trampoline_lowered:
0x8: {  	[smem:$0x3FA5] =	sst s0  }
0x9: {  	[smem:$0x3FA6] =	sst s1  }
0xa: {  	[smem:$0x3FA7] =	sst s2  }
0xb: {  	[smem:$0x3FA8] =	sst s3  }
0xc: {  	[smem:$0x3FA9] =	sst s4  }
0xd: {  	[smem:$0x3FAA] =	sst s5  }
0xe: {  	[smem:$0x3FAB] =	sst s6  }
0xf: {  	[smem:$0x3FAC] =	sst s7  }
0x10: {  	[smem:$0x3FAD] =	sst s8  }
0x11: {  	[smem:$0x3FAE] =	sst s9;
	s0 =	simm.s32 @!p0 $0x0  }
0x12: {  	s1 =	sld [smem:$0x3F94];
	s0 =	simm.s32 @p0 $0x1  }
0x13: {  	[smem:$0x3FAF] =	sst s0;
	s0 =	simm.s32 @!p1 $0x0  }
0x14: {  	s2 =	sld [smem:$0x3F93];
	s0 =	simm.s32 @p1 $0x1  }
0x15: {  	[smem:$0x3FB0] =	sst s0;
	s0 =	simm.s32 @!p2 $0x0  }
0x16: {  	s3 =	sld [smem:$0x3FDB];
	s0 =	simm.s32 @p2 $0x1  }
0x17: {  	s4 =	simm.s32 $0x1BF5;
	[smem:$0x3FB2] =	sst s0  }
0x18: {  	s0 =	sld [smem:$0x3F95];
	_ =	swait.ge [sflag:s4], $0x0  }
0x19: {  	s7 =	sld [smem:$0x3F96]  }
0x1a: {  	s8 =	sadd.s32 $0xFFFFE003, lr  }
0x1b: {  	s9 =	sadd.s32 $0xFFFFFEF7, lr;
	s5 =	simm.s32 $0xFFFFFFFF;
	p2 =	slt.u32 s8, $0xFFFFF086  }
0x1c: {  	p1 =	slt.u32 s9, $0xF7A;
	s5 =	simm.s32 @!p2 $0x0  }
0x1d: {  	s5 =	simm.s32 @p1 $0x1;
	p0 =	seq.s32 s7, s2  }
0x1e: {  	s7 =	smul.u32 @!p0 $0xF7A, s2;
	p2 =	seq.s32 @!p0 s5, $0x0  }
0x1f: {  	s9 =	smul.u32 $0xF7A, s1;
	s8 =	simm.s32 @!p0 $0x1BF5;
	p2 =	por !p2, p0  }
0x20: {  	[sflag:s8] =	ssyncset.s32 @!p0 $0xFFFFF086;
	s6 =	sadd.s32 @!p0 s3, s7;
	s7 =	simm.s32 @!p0 $0x108  }
0x21: {  	s3 =	sadd.s32 s3, s9;
	s6 =	sadd.s32 @!p0 $0x88, s6;
	s7 =	simm.s32 @p2 $0x1082  }
0x22: {  	[simem:s7], [sflag:s8] =	dma.local @!p0 [hbm:s6], $0xF7A  }
0x23: {  	s9 =	sor.u32 $0xD0000000, s2;
	s6 =	simm.s32 $0x108;
	_ =	swait.ge @!p0 [sflag:s8], $0x0  }
0x24: {  	s3 =	sadd.s32 $0x88, s3;
	s6 =	simm.s32 @!p1 $0x1082;
	[sflag:s4] =	ssyncset.s32 $0xFFFFF086  }
0x25: {  	[simem:s6], [sflag:s4] =	dma.local [hbm:s3], $0xF7A  }
0x26: {  	[smem:$0x3F96] =	sst s1;
	(tag) =	ssettag s2;
	_ =	strace s9  }
0x27: {  	s1 =	sld [smem:$0x3FA6]  }
0x28: {  	s2 =	sld [smem:$0x3FA7]  }
0x29: {  	s4 =	sld [smem:$0x3FA9]  }
0x2a: {  	p0 =	seq.s32 s5, $0x0;
	s5 =	sld [smem:$0x3FAA]  }
0x2b: {  	s6 =	sld [smem:$0x3FAB]  }
0x2c: {  	s7 =	sld [smem:$0x3FAC]  }
0x2d: {  	s3 =	simm.s32 $0x108;
	s8 =	sld [smem:$0x3FAD]  }
0x2e: {  	s3 =	simm.s32 @!p0 $0x1082;
	s9 =	sld [smem:$0x3FAE]  }
0x2f: {  	lr =	sadd.s32 s0, s3;
	s0 =	sld [smem:$0x3FA5]  }
0x30: {  	s3 =	sld [smem:$0x3FA8]  }
0x31: {  	[smem:$0x3FB1] =	sst s10  }
0x32: {  	s10 =	sld [smem:$0x3FAF];
	_ =	sdelay $0x3  }
0x33: {  	p0 =	seq.s32 s10, $0x1;
	s10 =	sld [smem:$0x3FB1];
	_ =	sdelay $0x3  }
0x34: {  	[smem:$0x3FB1] =	sst s10  }
0x35: {  	s10 =	sld [smem:$0x3FB0];
	_ =	sdelay $0x3  }
0x36: {  	p1 =	seq.s32 s10, $0x1;
	s10 =	sld [smem:$0x3FB1];
	_ =	sdelay $0x3  }
0x37: {  	[smem:$0x3FB1] =	sst s10  }
0x38: {  	s10 =	sld [smem:$0x3FB2]  }
0x39: {  	_ = 	snop;
	(pc) =	sbr.ind lr, $3  }
0x3a: {  	_ = 	snop  }
0x3b: {  	_ = 	snop  }
0x3c: {  	p2 =	seq.s32 s10, $0x1;
	s10 =	sld [smem:$0x3FB1]  }
0x3d: {  	_ =	shalt  }
0x3e: {  	_ =	shalt  }
0x3f: {  	_ =	shalt  }
0x40: {  	_ =	shalt  }
0x41: {  	_ =	shalt  }
0x42: {  	_ =	shalt  }
0x43: {  	_ =	shalt  }
0x44: {  	_ =	shalt  }
0x45: {  	_ =	shalt  }
0x46: {  	_ =	shalt  }
0x47: {  	_ =	shalt  }
0x48: {  	_ =	shalt  }
0x49: {  	_ =	shalt  }
0x4a: {  	_ =	shalt  }
0x4b: {  	_ =	shalt  }
0x4c: {  	_ =	shalt  }
0x4d: {  	_ =	shalt  }
0x4e: {  	_ =	shalt  }
0x4f: {  	_ =	shalt  }
0x50: {  	_ =	shalt  }
0x51: {  	_ =	shalt  }
0x52: {  	_ =	shalt  }
0x53: {  	_ =	shalt  }
0x54: {  	_ =	shalt  }
0x55: {  	_ =	shalt  }
0x56: {  	_ =	shalt  }
0x57: {  	_ =	shalt  }
0x58: {  	_ =	shalt  }
0x59: {  	_ =	shalt  }
0x5a: {  	_ =	shalt  }
0x5b: {  	_ =	shalt  }
0x5c: {  	_ =	shalt  }
0x5d: {  	_ =	shalt  }
0x5e: {  	_ =	shalt  }
0x5f: {  	_ =	shalt  }
0x60: {  	_ =	shalt  }
0x61: {  	_ =	shalt  }
0x62: {  	_ =	shalt  }
0x63: {  	_ =	shalt  }
0x64: {  	_ =	shalt  }
0x65: {  	_ =	shalt  }
0x66: {  	_ =	shalt  }
0x67: {  	_ =	shalt  }
0x68: {  	_ =	shalt  }
0x69: {  	_ =	shalt  }
0x6a: {  	_ =	shalt  }
0x6b: {  	_ =	shalt  }
0x6c: {  	_ =	shalt  }
0x6d: {  	_ =	shalt  }
0x6e: {  	_ =	shalt  }
0x6f: {  	_ =	shalt  }
0x70: {  	_ =	shalt  }
0x71: {  	_ =	shalt  }
0x72: {  	_ =	shalt  }
0x73: {  	_ =	shalt  }
0x74: {  	_ =	shalt  }
0x75: {  	_ =	shalt  }
0x76: {  	_ =	shalt  }
0x77: {  	_ =	shalt  }
0x78: {  	_ =	shalt  }
0x79: {  	_ =	shalt  }
0x7a: {  	_ =	shalt  }
0x7b: {  	_ =	shalt  }
0x7c: {  	_ =	shalt  }
0x7d: {  	_ =	shalt  }
0x7e: {  	_ =	shalt  }
0x7f: {  	_ =	shalt  }
0x80: {  	_ =	shalt  }
0x81: {  	_ =	shalt  }
0x82: {  	_ =	shalt  }
0x83: {  	_ =	shalt  }
0x84: {  	_ =	shalt  }
0x85: {  	_ =	shalt  }
0x86: {  	_ =	shalt  }
0x87: {  	_ =	shalt  }
.Lfunc_end0:
.L_simem_size_0:
called_computation.2_lowered:
.L_overlay_start_0:
0x88: {  	s2 =	sld [smem:$0x3FD9]  }
0x89: {  	s3 =	sld [smem:$0x3FFE];
	_ =	sdelay $0x1  }
0x8a: {  	s1 =	srdreg.scid  }
0x8b: {  	s0 =	sand.u32 $0x1, s1  }
0x8c: {  	s16 =	sshll.u32 s0, $0xA;
	s2 =	sadd.s32 s3, s2  }
0x8d: {  	s2 =	sadd.s32 s2, s16  }
0x8e: {  	[smem:$0x3FBD] =	sst s2  }
0x8f: {  	_ = 	snop  }
0x90: {  	(tm) =	ssettm $0x1  }
0x91: {  	s17 =	sld [smem:$0x3FFB];
	_ =	sdelay $0x3  }
0x92: {  	_ =	strace s17  }
0x93: {  	s2 =	sld [smem:$0x3FFC];
	_ =	sdelay $0x3  }
0x94: {  	_ =	strace s2  }
0x95: {  	s2 =	sld [smem:$0x3FFD];
	_ =	sdelay $0x3  }
0x96: {  	_ =	strace s2  }
0x97: {  	_ =	strace $0x8FFFFFFF  }
0x98: {  	s18 =	sld [smem:$0x3FDB];
	_ =	sdelay $0x1  }
0x99: {  	s19 =	simm.s32 $_scs_section_size  }
0x9a: {  	s4 =	simm.s32 $_size__tile_overlayer_lowered;
	s5 =	simm.s32 $_tile_overlayer_lowered  }
0x9b: {  	s22 =	simm.s32 $0x1BFF;
	s21 =	sshll.u32 s5, $0x1;
	s2 =	sadd.s32 s19, s18  }
0x9c: {  	s6 =	simm.s32 $0x0;
	s20 =	sshll.u32 s4, $0x1;
	s4 =	sadd.s32 s21, s2  }
0x9d: {  	[timem:s6], [sflag:s22] =	dma.local [hbm:s4], s20  }
0x9e: {  	_ =	swait.ge [sflag:s22], s20  }
0x9f: {  	s3 =	ssub.s32 $0x0, s20;
	[sflag:s22] =	ssyncset.done $0x0  }
0xa0: {  	[sflag:s22] =	ssyncadd.s32 s3;
	_ =	sdelay $0x1  }
0xa1: {  	s23 =	simm.s32 $0x1B8B  }
0xa2: {  	_ =	swait.ge [sflag:s23], $0x1  }
0xa3: {  	[sflag:s23] =	ssyncset.done $0x0  }
0xa4: {  	s25 =	simm.s32 $0x1B8E;
	s24 =	sld [smem:$0x3FFE];
	[sflag:s23] =	ssyncadd.s32 $0xFFFFFFFF  }
0xa5: {  	s26 =	simm.s32 $execute0_lowered;
	[smem:$0x3FD2] =	sst s25  }
0xa6: {  	s4 =	sshll.u32 s26, $0x1;
	_ =	strace $0x8000004C;
	[dreg:$0x1] =	wrdreg $0xFFFFFFFF  }
0xa7: {  	s28 =	simm.s32 $_size_execute0_lowered;
	s2 =	sadd.s32 s2, s4;
	[dreg:$0x0] =	wrdreg $0x0  }
0xa8: {  	s4 =	sshll.u32 s28, $0x1;
	[dreg:$0x2] =	wrdreg s2  }
0xa9: {  	[dreg:$0x3] =	wrdreg s4  }
0xaa: {  	[dreg:$0x4] =	wrdreg $0xC0  }
0xab: {  	_ =	task [dreg:s6], $0x5FFFF  }
0xac: {  	[dreg:$0x1] =	wrdreg $0xFFFFFFFF  }
0xad: {  	[dreg:$0x0] =	wrdreg $0x60  }
0xae: {  	[dreg:$0x2] =	wrdreg s24  }
0xaf: {  	[dreg:$0x3] =	wrdreg $0x0  }
0xb0: {  	[dreg:$0x4] =	wrdreg $0x9  }
0xb1: {  	_ =	task.clear_ibuf [dreg:s6], $0x5FFFF;
	_ =	strace $0x9000004C  }
0xb2: {  	s29 =	simm.s32 $0x9;
	_ =	strace $0x8000004E  }
0xb3: {  	_ =	swait.ge [sflag:s29], $0x1  }
0xb4: {  	[sflag:s29] =	ssyncadd.s32 $0xFFFFFFFF  }
0xb5: {  	_ =	strace $0x9000004E  }
0xb6: {  	_ =	sfence  }
0xb7: {  	s30 =	sld [smem:$0x0];
	_ =	sdelay $0x2  }
0xb8: {  	s31 =	sshll.u32 s1, $0xD;
	s1 =	sshrl.u32 s1, $0x2  }
0xb9: {  	s3 =	sand.u32 $0x4000, s31;
	s1 =	sadd.s32 s1, s30  }
0xba: {  	s0 =	sor.u32 s3, s0;
	s1 =	sshll.u32 s1, $0x11  }
0xbb: {  	s0 =	sor.u32 s1, s0  }
0xbc: {  	s0 =	sadd.s32 $0x8F2B, s0  }
0xbd: {  	[sflag:s0] =	ssyncadd.remote.s32 $0x1  }
0xbe: {  	_ =	sfence.sel $0xFFFF  }
0xbf: {  	[dreg:$0x0] =	wrdreg $0xFFFFFFFF;
	(pc) =	sbr.abs _section_cstart, $3  }
0xc0: {  	[dreg:$0x1] =	wrdreg $0xFFFFFFFF  }
0xc1: {  	_ =	task.clear_ibuf [dreg:s6], $0x2FFFF;
	_ =	strace $0x9FFFFFFF  }
0xc2: {  	(tm) =	ssettm $0x7FFFFFFF  }
0xc3: {  	_ =	shalt  }
tec
execute0_lowered:
.L_overlay_start_1:
0x0: {  	(tag) =	ssettag $0x1  }
0x1: {  	s0 =	srdreg.scid;
	s6 =	rddreg [dreg:$0x0]  }
0x2: {  	s2 =	rddreg [dreg:$0x1];
	s3 =	simm.s32 $0x0;
	s14 =	simm.s32 $0x14000  }
0x3: {  	s15 =	simm.s32 $0x2;
	s16 =	simm.s32 $0x16800;
	s17 =	simm.s32 $0x19000  }
0x4: {  	s18 =	simm.s32 $0x80;
	s19 =	simm.s32 $0x1;
	s5 =	sand.u32 $0x1, s0  }
0x5: {  	s22 =	simm.s32 $0x0;
	s0 =	stileid.u32;
	s8 =	smul.u32 $0x140000, s5  }
0x6: {  	[smem:$0x7FF] =	sst s3;
	s1 =	sshll.u32 s5, $0x4;
	s9 =	smul.u32 $0x14000, s0  }
0x7: {  	s10 =	smul.u32 $0x50000, s0;
	s5 =	ssub.s32 $0x2, s5;
	s20 =	sshll.u32 s0, $0x6  }
0x8: {  	s4 =	sor.u32 s0, s1;
	s1 =	rddreg [dreg:$0x2];
	_ =	strace $0x8000004D  }
0x9: {  	s31 =	sshrl.u32 s5, $0x1;
	s20 =	sor.u32 $0x1C02, s20;
	s7 =	smul.u32 $0x2800, s4  }
0xa: {  	s4 =	sadd.s32 $0x16E00, s6;
	s8 =	sadd.s32 s9, s8;
	s10 =	sshrl.u32 s10, $0x2  }
0xb: {  	s13 =	ssub.s32 s5, s31;
	s8 =	sshrl.u32 s8, $0x3;
	s5 =	sadd.s32 s10, s2  }
0xc: {  	s13 =	smax.u32 s13, $0x1;
	s7 =	sshrl.u32 s7, $0x3;
	s12 =	sadd.s32 s8, s6  }
0xd: {  	s8 =	sadd.s32 $0x4000, s5;
	s9 =	sadd.s32 $0x8000, s5;
	s10 =	sadd.s32 $0xC000, s5  }
0xe: {  	s11 =	sadd.s32 $0x10000, s5;
	s21 =	sshrl.u32 s5, $0x3;
	s7 =	sadd.s32 s7, s6  }
0xf: {  	v0 =	vimm.f32 $0.0e+00;
	s12 =	sadd.s32 $0x3EE00, s12;
	s6 =	sadd.s32 $0x2E00, s7;
	s7 =	sadd.s32 $0xCE00, s7  }
.LBB2_1:
0x10: {  	[tilespmem:s14], [sflag:$0x2] =	stream.linear.gather [hbm4b:s6+s3], $0x2800, $0x38;
	[tilespmem:$0x1D000] =	vst v63  }
0x11: {  	_ =	swait.ge [sflag:s15], $0x2800  }
0x12: {  	[sflag:s15] =	ssyncset.done $0x0  }
0x13: {  	[sflag:s15] =	ssyncadd.s32 $0xFFFFD800  }
0x14: {  	[tilespmem:s16], [sflag:$0x2] =	stream.linear.gather [hbm4b:s7+s3], $0x2800, $0x38;
	[tilespmem:$0x1D000] =	vst v63  }
0x15: {  	_ =	swait.ge [sflag:s15], $0x2800  }
0x16: {  	[sflag:s15] =	ssyncset.done $0x0  }
0x17: {  	s23 =	simm.s32 $0x0;
	s24 =	simm.s32 $0x200;
	[sflag:s15] =	ssyncadd.s32 $0xFFFFD800  }
.LBB2_2:
0x18: {  	p0 =	sne.s32 s24, $0xFE00;
	[tilespmem:s23+$0x19070] =	vst v0  }
0x19: {  	[tilespmem:s23+$0x19000] =	vst v0  }
0x1a: {  	[tilespmem:s23+$0x19010] =	vst v0  }
.Ltmp0:
0x1b: {  	[tilespmem:s23+$0x19020] =	vst v0;
	(pc) =	sbr.rel @p0 .LBB2_2-.Ltmp0, $4  }
0x1c: {  	[tilespmem:s23+$0x19030] =	vst v0  }
0x1d: {  	[tilespmem:s23+$0x19040] =	vst v0  }
0x1e: {  	[tilespmem:s23+$0x19050] =	vst v0  }
0x1f: {  	[tilespmem:s23+$0x19060] =	vst v0;
	s23 =	sshra.s32 s24, $0x2;
	s24 =	sadd.s32 $0x200, s24  }
0x20: {  	[tilespmem:s23+$0x19070] =	vst v0  }
0x21: {  	[tilespmem:s23+$0x19000] =	vst v0  }
0x22: {  	[tilespmem:s23+$0x19010] =	vst v0  }
0x23: {  	[tilespmem:s23+$0x19020] =	vst v0  }
0x24: {  	[tilespmem:s23+$0x19030] =	vst v0  }
0x25: {  	[tilespmem:s23+$0x19040] =	vst v0  }
0x26: {  	[tilespmem:s23+$0x19050] =	vst v0  }
0x27: {  	[tilespmem:s23+$0x19060] =	vst v0  }
0x28: {  	[spmem:s5] =	stream.linear.scatter [tilespmem:s17], [sflag:$0x2], $0x4000, $0x38;
	[tilespmem:$0x1D000] =	vst v63  }
0x29: {  	_ =	swait.ge [sflag:s15], $0x4000  }
0x2a: {  	[sflag:s15] =	ssyncset.done $0x0  }
0x2b: {  	[sflag:s15] =	ssyncadd.s32 $0xFFFFC000  }
0x2c: {  	[spmem:s8] =	stream.linear.scatter [tilespmem:s17], [sflag:$0x2], $0x4000, $0x38;
	[tilespmem:$0x1D000] =	vst v63  }
0x2d: {  	_ =	swait.ge [sflag:s15], $0x4000  }
0x2e: {  	[sflag:s15] =	ssyncset.done $0x0  }
0x2f: {  	[sflag:s15] =	ssyncadd.s32 $0xFFFFC000  }
0x30: {  	[spmem:s9] =	stream.linear.scatter [tilespmem:s17], [sflag:$0x2], $0x4000, $0x38;
	[tilespmem:$0x1D000] =	vst v63  }
0x31: {  	_ =	swait.ge [sflag:s15], $0x4000  }
0x32: {  	[sflag:s15] =	ssyncset.done $0x0  }
0x33: {  	[sflag:s15] =	ssyncadd.s32 $0xFFFFC000  }
0x34: {  	[spmem:s10] =	stream.linear.scatter [tilespmem:s17], [sflag:$0x2], $0x4000, $0x38;
	[tilespmem:$0x1D000] =	vst v63  }
0x35: {  	_ =	swait.ge [sflag:s15], $0x4000  }
0x36: {  	[sflag:s15] =	ssyncset.done $0x0  }
0x37: {  	[sflag:s15] =	ssyncadd.s32 $0xFFFFC000  }
0x38: {  	[spmem:s11] =	stream.linear.scatter [tilespmem:s17], [sflag:$0x2], $0x4000, $0x38;
	[tilespmem:$0x1D000] =	vst v63  }
0x39: {  	_ =	swait.ge [sflag:s15], $0x4000  }
0x3a: {  	[sflag:s15] =	ssyncset.done $0x0  }
0x3b: {  	[sflag:s15] =	ssyncadd.s32 $0xFFFFC000  }
0x3c: {  	s30 =	simm.s32 $0x14000;
	[bflag:$0x0] =	sbarrier.arrive $0xFFFF  }
0x3d: {  	[tilespmem:s17], [sflag:$0x1] =	stream.indirect.gather [hbm4b:s4+s18], $0x80, s30, s18, $0xb8;
	[tilespmem:$0x1D000] =	vst v63  }
0x3e: {  	_ =	swait.ge [sflag:s19], $0x4000  }
0x3f: {  	[sflag:s19] =	ssyncset.done $0x0  }
0x40: {  	s31 =	simm.s32 $0x16800;
	[sflag:s19] =	ssyncadd.s32 $0xFFFFC000  }
0x41: {  	[spmem:s2] =	stream.indirect.scatter.add.f32 [tilespmem:s17], [sflag:$0x2], $0x80, s31, s18, $0xb8;
	[tilespmem:$0x1D000] =	vst v63  }
0x42: {  	_ =	swait.ge [sflag:s15], $0x4000  }
0x43: {  	s24 =	simm.s32 $0x400;
	s23 =	simm.s32 $0x80;
	[sflag:s15] =	ssyncset.done $0x0  }
.LBB2_4:
0x44: {  	s25 =	sadd.s32 $0x14000, s23  }
0x45: {  	[sflag:s15] =	ssyncadd.s32 $0xFFFFC000;
	s26 =	smov.u32 s24;
	s28 =	sadd.s32 $0x200, s24  }
0x46: {  	[tilespmem:s17], [sflag:$0x1] =	stream.indirect.gather [hbm4b:s4+s18], $0x80, s25, s18, $0xb8;
	[tilespmem:$0x1D000] =	vst v63  }
0x47: {  	p0 =	sne.s32 s24, $0x9E00;
	_ =	swait.ge [sflag:s19], $0x4000  }
.Ltmp1:
0x48: {  	[sflag:s19] =	ssyncset.done $0x0;
	(pc) =	sbr.rel @p0 .LBB2_4-.Ltmp1, $4  }
0x49: {  	s23 =	sadd.s32 $0x16800, s23;
	[sflag:s19] =	ssyncadd.s32 $0xFFFFC000  }
0x4a: {  	[spmem:s2] =	stream.indirect.scatter.add.f32 [tilespmem:s17], [sflag:$0x2], $0x80, s23, s18, $0xb8;
	[tilespmem:$0x1D000] =	vst v63  }
0x4b: {  	_ =	swait.ge [sflag:s15], $0x4000  }
0x4c: {  	s24 =	smov.u32 s28;
	s23 =	sshra.s32 s26, $0x2;
	[sflag:s15] =	ssyncset.done $0x0  }
0x4d: {  	s24 =	sadd.s32 $0x14000, s23;
	[sflag:s15] =	ssyncadd.s32 $0xFFFFC000  }
0x4e: {  	[tilespmem:s17], [sflag:$0x1] =	stream.indirect.gather [hbm4b:s4+s18], $0x80, s24, s18, $0xb8;
	[tilespmem:$0x1D000] =	vst v63  }
0x4f: {  	_ =	swait.ge [sflag:s19], $0x4000  }
0x50: {  	[sflag:s19] =	ssyncset.done $0x0  }
0x51: {  	s31 =	sadd.s32 $0x16800, s23;
	[sflag:s19] =	ssyncadd.s32 $0xFFFFC000  }
0x52: {  	[spmem:s2] =	stream.indirect.scatter.add.f32 [tilespmem:s17], [sflag:$0x2], $0x80, s31, s18, $0xb8;
	[tilespmem:$0x1D000] =	vst v63  }
0x53: {  	_ =	swait.ge [sflag:s15], $0x4000  }
0x54: {  	s22 =	sadd.s32 $0x1, s22;
	[sflag:s15] =	ssyncset.done $0x0  }
0x55: {  	p0 =	sne.s32 s22, s13;
	[sflag:s15] =	ssyncadd.s32 $0xFFFFC000  }
.Ltmp2:
0x56: {  	[bflag:$0x0] =	sbarrier.arrive $0xFFFF;
	(pc) =	sbr.rel @p0 .LBB2_1-.Ltmp2, $4  }
0x57: {  	[hbm:s12], [sflag:s20] =	dma.local [spmem:s21], $0x2800  }
0x58: {  	_ =	swait.ge [sflag:s15], $0x2800  }
0x59: {  	[sflag:s15] =	ssyncset.done $0x0  }
0x5a: {  	[sflag:s15] =	ssyncadd.s32 $0xFFFFD800  }
0x5b: {  	_ =	sfence.sel $0x180000  }
0x5c: {  	[bflag:$0x0] =	sbarrier.arrive $0xFFFF  }
0x5d: {  	p0 =	sne.s32 s0, $0x0;
	_ =	strace $0x9000004D  }
0x5e: {  	s0 =	sadd.s32 @!p0 $0x100000, s1;
	[bflag:$0x2] =	sbarrier.arrive $0xFFFF  }
0x5f: {  	[sflag:s0] =	ssyncadd.tile.s32 @!p0 $0x1;
	_ =	shalt  }
.Lfunc_end2:
_tile_overlayer_lowered:
.L_overlay_start_2:
0x60: {  	(tag) =	ssettag $0x2  }
0x61: {  	s0 =	rddreg [dreg:$0x0];
	s2 =	stileid.u32  }
0x62: {  	s1 =	rddreg [dreg:$0x1];
	p0 =	sne.s32 s2, $0x0  }
0x63: {  	s3 =	rddreg [dreg:$0x2];
	[bflag:$0x3] =	sbarrier.arrive $0xFFFF;
	s2 =	simm.s32 @!p0 $0x1C02  }
0x64: {  	[timem:s3], [sflag:s2] =	dma.local @!p0 [hbm:s0], s1  }
0x65: {  	s0 =	simm.s32 @!p0 $0x2  }
0x66: {  	_ =	swait.ge @!p0 [sflag:s0], s1  }
0x67: {  	s1 =	ssub.s32 @!p0 $0x0, s1;
	[sflag:s0] =	ssyncset.done @!p0 $0x0  }
0x68: {  	[sflag:s0] =	ssyncadd.s32 @!p0 s1  }
0x69: {  	[bflag:$0x3] =	sbarrier.arrive $0xFFFF  }
0x6a: {  	_ =	shalt  }

// kernel: kernel.8.cloned.1.call-start
scs
__scs_entry_jumppad:
0x0: {  	(pc) =	sbr.rel $0x88, $3  }
0x1: {  	(tag) =	ssettag $0x0;
	lr =	simm.s32 $0x1  }
0x2: {  	[smem:$0x3F96] =	sst lr;
	_ =	strace $0xD0000000  }
0x3: {  	_ = 	snop  }
0x4: {  	_ = 	snop  }
0x5: {  	_ = 	snop  }
0x6: {  	_ = 	snop  }
0x7: {  	_ = 	snop  }
__scs_overlays_trampoline_lowered:
0x8: {  	[smem:$0x3FA5] =	sst s0  }
0x9: {  	[smem:$0x3FA6] =	sst s1  }
0xa: {  	[smem:$0x3FA7] =	sst s2  }
0xb: {  	[smem:$0x3FA8] =	sst s3  }
0xc: {  	[smem:$0x3FA9] =	sst s4  }
0xd: {  	[smem:$0x3FAA] =	sst s5  }
0xe: {  	[smem:$0x3FAB] =	sst s6  }
0xf: {  	[smem:$0x3FAC] =	sst s7  }
0x10: {  	[smem:$0x3FAD] =	sst s8  }
0x11: {  	[smem:$0x3FAE] =	sst s9;
	s0 =	simm.s32 @!p0 $0x0  }
0x12: {  	s1 =	sld [smem:$0x3F94];
	s0 =	simm.s32 @p0 $0x1  }
0x13: {  	[smem:$0x3FAF] =	sst s0;
	s0 =	simm.s32 @!p1 $0x0  }
0x14: {  	s2 =	sld [smem:$0x3F93];
	s0 =	simm.s32 @p1 $0x1  }
0x15: {  	[smem:$0x3FB0] =	sst s0;
	s0 =	simm.s32 @!p2 $0x0  }
0x16: {  	s3 =	sld [smem:$0x3FDB];
	s0 =	simm.s32 @p2 $0x1  }
0x17: {  	s4 =	simm.s32 $0x1BF5;
	[smem:$0x3FB2] =	sst s0  }
0x18: {  	s0 =	sld [smem:$0x3F95];
	_ =	swait.ge [sflag:s4], $0x0  }
0x19: {  	s7 =	sld [smem:$0x3F96]  }
0x1a: {  	s8 =	sadd.s32 $0xFFFFE003, lr  }
0x1b: {  	s9 =	sadd.s32 $0xFFFFFEF7, lr;
	s5 =	simm.s32 $0xFFFFFFFF;
	p2 =	slt.u32 s8, $0xFFFFF086  }
0x1c: {  	p1 =	slt.u32 s9, $0xF7A;
	s5 =	simm.s32 @!p2 $0x0  }
0x1d: {  	s5 =	simm.s32 @p1 $0x1;
	p0 =	seq.s32 s7, s2  }
0x1e: {  	s7 =	smul.u32 @!p0 $0xF7A, s2;
	p2 =	seq.s32 @!p0 s5, $0x0  }
0x1f: {  	s9 =	smul.u32 $0xF7A, s1;
	s8 =	simm.s32 @!p0 $0x1BF5;
	p2 =	por !p2, p0  }
0x20: {  	[sflag:s8] =	ssyncset.s32 @!p0 $0xFFFFF086;
	s6 =	sadd.s32 @!p0 s3, s7;
	s7 =	simm.s32 @!p0 $0x108  }
0x21: {  	s3 =	sadd.s32 s3, s9;
	s6 =	sadd.s32 @!p0 $0x88, s6;
	s7 =	simm.s32 @p2 $0x1082  }
0x22: {  	[simem:s7], [sflag:s8] =	dma.local @!p0 [hbm:s6], $0xF7A  }
0x23: {  	s9 =	sor.u32 $0xD0000000, s2;
	s6 =	simm.s32 $0x108;
	_ =	swait.ge @!p0 [sflag:s8], $0x0  }
0x24: {  	s3 =	sadd.s32 $0x88, s3;
	s6 =	simm.s32 @!p1 $0x1082;
	[sflag:s4] =	ssyncset.s32 $0xFFFFF086  }
0x25: {  	[simem:s6], [sflag:s4] =	dma.local [hbm:s3], $0xF7A  }
0x26: {  	[smem:$0x3F96] =	sst s1;
	(tag) =	ssettag s2;
	_ =	strace s9  }
0x27: {  	s1 =	sld [smem:$0x3FA6]  }
0x28: {  	s2 =	sld [smem:$0x3FA7]  }
0x29: {  	s4 =	sld [smem:$0x3FA9]  }
0x2a: {  	p0 =	seq.s32 s5, $0x0;
	s5 =	sld [smem:$0x3FAA]  }
0x2b: {  	s6 =	sld [smem:$0x3FAB]  }
0x2c: {  	s7 =	sld [smem:$0x3FAC]  }
0x2d: {  	s3 =	simm.s32 $0x108;
	s8 =	sld [smem:$0x3FAD]  }
0x2e: {  	s3 =	simm.s32 @!p0 $0x1082;
	s9 =	sld [smem:$0x3FAE]  }
0x2f: {  	lr =	sadd.s32 s0, s3;
	s0 =	sld [smem:$0x3FA5]  }
0x30: {  	s3 =	sld [smem:$0x3FA8]  }
0x31: {  	[smem:$0x3FB1] =	sst s10  }
0x32: {  	s10 =	sld [smem:$0x3FAF];
	_ =	sdelay $0x3  }
0x33: {  	p0 =	seq.s32 s10, $0x1;
	s10 =	sld [smem:$0x3FB1];
	_ =	sdelay $0x3  }
0x34: {  	[smem:$0x3FB1] =	sst s10  }
0x35: {  	s10 =	sld [smem:$0x3FB0];
	_ =	sdelay $0x3  }
0x36: {  	p1 =	seq.s32 s10, $0x1;
	s10 =	sld [smem:$0x3FB1];
	_ =	sdelay $0x3  }
0x37: {  	[smem:$0x3FB1] =	sst s10  }
0x38: {  	s10 =	sld [smem:$0x3FB2]  }
0x39: {  	_ = 	snop;
	(pc) =	sbr.ind lr, $3  }
0x3a: {  	_ = 	snop  }
0x3b: {  	_ = 	snop  }
0x3c: {  	p2 =	seq.s32 s10, $0x1;
	s10 =	sld [smem:$0x3FB1]  }
0x3d: {  	_ =	shalt  }
0x3e: {  	_ =	shalt  }
0x3f: {  	_ =	shalt  }
0x40: {  	_ =	shalt  }
0x41: {  	_ =	shalt  }
0x42: {  	_ =	shalt  }
0x43: {  	_ =	shalt  }
0x44: {  	_ =	shalt  }
0x45: {  	_ =	shalt  }
0x46: {  	_ =	shalt  }
0x47: {  	_ =	shalt  }
0x48: {  	_ =	shalt  }
0x49: {  	_ =	shalt  }
0x4a: {  	_ =	shalt  }
0x4b: {  	_ =	shalt  }
0x4c: {  	_ =	shalt  }
0x4d: {  	_ =	shalt  }
0x4e: {  	_ =	shalt  }
0x4f: {  	_ =	shalt  }
0x50: {  	_ =	shalt  }
0x51: {  	_ =	shalt  }
0x52: {  	_ =	shalt  }
0x53: {  	_ =	shalt  }
0x54: {  	_ =	shalt  }
0x55: {  	_ =	shalt  }
0x56: {  	_ =	shalt  }
0x57: {  	_ =	shalt  }
0x58: {  	_ =	shalt  }
0x59: {  	_ =	shalt  }
0x5a: {  	_ =	shalt  }
0x5b: {  	_ =	shalt  }
0x5c: {  	_ =	shalt  }
0x5d: {  	_ =	shalt  }
0x5e: {  	_ =	shalt  }
0x5f: {  	_ =	shalt  }
0x60: {  	_ =	shalt  }
0x61: {  	_ =	shalt  }
0x62: {  	_ =	shalt  }
0x63: {  	_ =	shalt  }
0x64: {  	_ =	shalt  }
0x65: {  	_ =	shalt  }
0x66: {  	_ =	shalt  }
0x67: {  	_ =	shalt  }
0x68: {  	_ =	shalt  }
0x69: {  	_ =	shalt  }
0x6a: {  	_ =	shalt  }
0x6b: {  	_ =	shalt  }
0x6c: {  	_ =	shalt  }
0x6d: {  	_ =	shalt  }
0x6e: {  	_ =	shalt  }
0x6f: {  	_ =	shalt  }
0x70: {  	_ =	shalt  }
0x71: {  	_ =	shalt  }
0x72: {  	_ =	shalt  }
0x73: {  	_ =	shalt  }
0x74: {  	_ =	shalt  }
0x75: {  	_ =	shalt  }
0x76: {  	_ =	shalt  }
0x77: {  	_ =	shalt  }
0x78: {  	_ =	shalt  }
0x79: {  	_ =	shalt  }
0x7a: {  	_ =	shalt  }
0x7b: {  	_ =	shalt  }
0x7c: {  	_ =	shalt  }
0x7d: {  	_ =	shalt  }
0x7e: {  	_ =	shalt  }
0x7f: {  	_ =	shalt  }
0x80: {  	_ =	shalt  }
0x81: {  	_ =	shalt  }
0x82: {  	_ =	shalt  }
0x83: {  	_ =	shalt  }
0x84: {  	_ =	shalt  }
0x85: {  	_ =	shalt  }
0x86: {  	_ =	shalt  }
0x87: {  	_ =	shalt  }
.Lfunc_end0:
.L_simem_size_0:
called_computation_lowered:
.L_overlay_start_0:
0x88: {  	s2 =	sld [smem:$0x3FD9]  }
0x89: {  	s3 =	sld [smem:$0x3FFE];
	_ =	sdelay $0x1  }
0x8a: {  	s1 =	srdreg.scid  }
0x8b: {  	s0 =	sand.u32 $0x1, s1  }
0x8c: {  	s16 =	sshll.u32 s0, $0xA;
	s2 =	sadd.s32 s3, s2  }
0x8d: {  	s2 =	sadd.s32 s2, s16  }
0x8e: {  	[smem:$0x3FBD] =	sst s2  }
0x8f: {  	_ = 	snop  }
0x90: {  	(tm) =	ssettm $0x1  }
0x91: {  	s17 =	sld [smem:$0x3FFB];
	_ =	sdelay $0x3  }
0x92: {  	_ =	strace s17  }
0x93: {  	s2 =	sld [smem:$0x3FFC];
	_ =	sdelay $0x3  }
0x94: {  	_ =	strace s2  }
0x95: {  	s2 =	sld [smem:$0x3FFD];
	_ =	sdelay $0x3  }
0x96: {  	_ =	strace s2  }
0x97: {  	_ =	strace $0x8FFFFFFF  }
0x98: {  	s18 =	sld [smem:$0x3FDB];
	_ =	sdelay $0x1  }
0x99: {  	s19 =	simm.s32 $_scs_section_size  }
0x9a: {  	s4 =	simm.s32 $_size__tile_overlayer_lowered;
	s5 =	simm.s32 $_tile_overlayer_lowered  }
0x9b: {  	s22 =	simm.s32 $0x1BFF;
	s21 =	sshll.u32 s5, $0x1;
	s2 =	sadd.s32 s19, s18  }
0x9c: {  	s6 =	simm.s32 $0x0;
	s20 =	sshll.u32 s4, $0x1;
	s4 =	sadd.s32 s21, s2  }
0x9d: {  	[timem:s6], [sflag:s22] =	dma.local [hbm:s4], s20  }
0x9e: {  	_ =	swait.ge [sflag:s22], s20  }
0x9f: {  	s3 =	ssub.s32 $0x0, s20;
	[sflag:s22] =	ssyncset.done $0x0  }
0xa0: {  	[sflag:s22] =	ssyncadd.s32 s3;
	_ =	sdelay $0x1  }
0xa1: {  	s23 =	simm.s32 $0x1B8B  }
0xa2: {  	_ =	swait.ge [sflag:s23], $0x1  }
0xa3: {  	[sflag:s23] =	ssyncset.done $0x0  }
0xa4: {  	s25 =	simm.s32 $0x1B8E;
	s24 =	sld [smem:$0x3FFE];
	[sflag:s23] =	ssyncadd.s32 $0xFFFFFFFF  }
0xa5: {  	s26 =	simm.s32 $execute0_lowered;
	[smem:$0x3FD2] =	sst s25  }
0xa6: {  	s4 =	sshll.u32 s26, $0x1;
	_ =	strace $0x80000046;
	[dreg:$0x1] =	wrdreg $0xFFFFFFFF  }
0xa7: {  	s28 =	simm.s32 $_size_execute0_lowered;
	s2 =	sadd.s32 s2, s4;
	[dreg:$0x0] =	wrdreg $0x0  }
0xa8: {  	s4 =	sshll.u32 s28, $0x1;
	[dreg:$0x2] =	wrdreg s2  }
0xa9: {  	[dreg:$0x3] =	wrdreg s4  }
0xaa: {  	[dreg:$0x4] =	wrdreg $0xC0  }
0xab: {  	_ =	task [dreg:s6], $0x5FFFF  }
0xac: {  	[dreg:$0x1] =	wrdreg $0xFFFFFFFF  }
0xad: {  	[dreg:$0x0] =	wrdreg $0x60  }
0xae: {  	[dreg:$0x2] =	wrdreg s24  }
0xaf: {  	[dreg:$0x3] =	wrdreg $0x0  }
0xb0: {  	[dreg:$0x4] =	wrdreg $0x9  }
0xb1: {  	_ =	task.clear_ibuf [dreg:s6], $0x5FFFF;
	_ =	strace $0x90000046  }
0xb2: {  	s29 =	simm.s32 $0x9;
	_ =	strace $0x80000048  }
0xb3: {  	_ =	swait.ge [sflag:s29], $0x1  }
0xb4: {  	[sflag:s29] =	ssyncadd.s32 $0xFFFFFFFF  }
0xb5: {  	_ =	strace $0x90000048  }
0xb6: {  	_ =	sfence  }
0xb7: {  	s30 =	sld [smem:$0x0];
	_ =	sdelay $0x2  }
0xb8: {  	s31 =	sshll.u32 s1, $0xD;
	s1 =	sshrl.u32 s1, $0x2  }
0xb9: {  	s3 =	sand.u32 $0x4000, s31;
	s1 =	sadd.s32 s1, s30  }
0xba: {  	s0 =	sor.u32 s3, s0;
	s1 =	sshll.u32 s1, $0x11  }
0xbb: {  	s0 =	sor.u32 s1, s0  }
0xbc: {  	s0 =	sadd.s32 $0x8F2B, s0  }
0xbd: {  	[sflag:s0] =	ssyncadd.remote.s32 $0x1  }
0xbe: {  	_ =	sfence.sel $0xFFFF  }
0xbf: {  	[dreg:$0x0] =	wrdreg $0xFFFFFFFF;
	(pc) =	sbr.abs _section_cstart, $3  }
0xc0: {  	[dreg:$0x1] =	wrdreg $0xFFFFFFFF  }
0xc1: {  	_ =	task.clear_ibuf [dreg:s6], $0x2FFFF;
	_ =	strace $0x9FFFFFFF  }
0xc2: {  	(tm) =	ssettm $0x7FFFFFFF  }
0xc3: {  	_ =	shalt  }
tec
execute0_lowered:
.L_overlay_start_1:
0x0: {  	(tag) =	ssettag $0x1  }
0x1: {  	s5 =	rddreg [dreg:$0x0]  }
0x2: {  	s0 =	srdreg.scid;
	s2 =	rddreg [dreg:$0x1];
	s3 =	simm.s32 $0x0  }
0x3: {  	s13 =	simm.s32 $0x5000;
	s14 =	simm.s32 $0x1;
	s4 =	sand.u32 $0x1, s0  }
0x4: {  	s15 =	simm.s32 $0x2800;
	s0 =	stileid.u32;
	s7 =	smul.u32 $0x140000, s4  }
0x5: {  	s16 =	simm.s32 $0x80;
	[smem:$0x7FF] =	sst s3;
	s8 =	smul.u32 $0x14000, s0  }
0x6: {  	s1 =	sshll.u32 s4, $0x4;
	s9 =	smul.u32 $0x50000, s0;
	s4 =	ssub.s32 $0x2, s4  }
0x7: {  	s17 =	sshll.u32 s0, $0x6;
	s1 =	sor.u32 s0, s1;
	s30 =	sshrl.u32 s4, $0x1  }
0x8: {  	s17 =	sor.u32 $0x1C01, s17;
	s6 =	smul.u32 $0x2800, s1;
	s1 =	rddreg [dreg:$0x2]  }
0x9: {  	_ =	strace $0x80000047;
	s31 =	sshrl.u32 s9, $0x2;
	s12 =	ssub.s32 s4, s30  }
0xa: {  	s29 =	sadd.s32 s8, s7;
	s4 =	sadd.s32 s31, s2;
	s12 =	smax.u32 s12, $0x1  }
0xb: {  	s6 =	sshrl.u32 s6, $0x3;
	s7 =	sadd.s32 $0xC000, s4;
	s8 =	sadd.s32 $0x10000, s4  }
0xc: {  	s18 =	sshrl.u32 s4, $0x3;
	s10 =	sadd.s32 s6, s5;
	s6 =	sshrl.u32 s29, $0x3  }
0xd: {  	s11 =	sadd.s32 s6, s5;
	s5 =	sadd.s32 $0x4000, s4;
	s6 =	sadd.s32 $0x8000, s4  }
0xe: {  	v0 =	vimm.f32 $0.0e+00;
	v1 =	vimm.f32 $1.000000000e+00;
	v2 =	vimm.f32 $2.441406250e-04;
	s9 =	sadd.s32 $0x2E00, s10;
	s10 =	sadd.s32 $0xCE00, s10;
	s11 =	sadd.s32 $0x16E00, s11  }
.LBB2_1:
0xf: {  	s19 =	simm.s32 $0x200;
	s20 =	simm.s32 $0x0  }
.LBB2_2:
0x10: {  	p0 =	sne.s32 s19, $0xFE00;
	[tilespmem:s20+$0x5000] =	vst v0;
	s20 =	smov.u32 s19;
	s19 =	sadd.s32 $0x200, s19  }
.Ltmp0:
0x11: {  	(pc) =	sbr.rel @p0 .LBB2_2-.Ltmp0, $2  }
0x12: {  	_ =	sdelay $0x2  }
0x13: {  	s20 =	sshra.s32 s20, $0x2  }
0x14: {  	[tilespmem:s20+$0x5000] =	vst v0  }
0x15: {  	[spmem:s4] =	stream.linear.scatter [tilespmem:s13], [sflag:$0x1], $0x4000, $0x38;
	[tilespmem:$0x9000] =	vst v63  }
0x16: {  	_ =	swait.ge [sflag:s14], $0x4000  }
0x17: {  	[sflag:s14] =	ssyncset.done $0x0  }
0x18: {  	[sflag:s14] =	ssyncadd.s32 $0xFFFFC000  }
0x19: {  	[spmem:s5] =	stream.linear.scatter [tilespmem:s13], [sflag:$0x1], $0x4000, $0x38;
	[tilespmem:$0x9000] =	vst v63  }
0x1a: {  	_ =	swait.ge [sflag:s14], $0x4000  }
0x1b: {  	[sflag:s14] =	ssyncset.done $0x0  }
0x1c: {  	[sflag:s14] =	ssyncadd.s32 $0xFFFFC000  }
0x1d: {  	[spmem:s6] =	stream.linear.scatter [tilespmem:s13], [sflag:$0x1], $0x4000, $0x38;
	[tilespmem:$0x9000] =	vst v63  }
0x1e: {  	_ =	swait.ge [sflag:s14], $0x4000  }
0x1f: {  	[sflag:s14] =	ssyncset.done $0x0  }
0x20: {  	[sflag:s14] =	ssyncadd.s32 $0xFFFFC000  }
0x21: {  	[spmem:s7] =	stream.linear.scatter [tilespmem:s13], [sflag:$0x1], $0x4000, $0x38;
	[tilespmem:$0x9000] =	vst v63  }
0x22: {  	_ =	swait.ge [sflag:s14], $0x4000  }
0x23: {  	[sflag:s14] =	ssyncset.done $0x0  }
0x24: {  	[sflag:s14] =	ssyncadd.s32 $0xFFFFC000  }
0x25: {  	[spmem:s8] =	stream.linear.scatter [tilespmem:s13], [sflag:$0x1], $0x4000, $0x38;
	[tilespmem:$0x9000] =	vst v63  }
0x26: {  	_ =	swait.ge [sflag:s14], $0x4000  }
0x27: {  	[sflag:s14] =	ssyncset.done $0x0  }
0x28: {  	[sflag:s14] =	ssyncadd.s32 $0xFFFFC000  }
0x29: {  	s19 =	simm.s32 $0x0;
	[bflag:$0x0] =	sbarrier.arrive $0xFFFF  }
0x2a: {  	[tilespmem:s15], [sflag:$0x1] =	stream.linear.gather [hbm4b:s9+s19], $0x2800, $0x38;
	[tilespmem:$0x9000] =	vst v63  }
0x2b: {  	_ =	swait.ge [sflag:s14], $0x2800  }
0x2c: {  	[sflag:s14] =	ssyncset.done $0x0  }
0x2d: {  	s20 =	simm.s32 $0x0;
	s19 =	simm.s32 $0x200;
	[sflag:s14] =	ssyncadd.s32 $0xFFFFD800  }
.LBB2_4:
0x2e: {  	p0 =	sne.s32 s19, $0xFE00;
	[tilespmem:s20+$0x5000] =	vst v1;
	s20 =	smov.u32 s19;
	s19 =	sadd.s32 $0x200, s19  }
.Ltmp1:
0x2f: {  	(pc) =	sbr.rel @p0 .LBB2_4-.Ltmp1, $2  }
0x30: {  	_ =	sdelay $0x2  }
0x31: {  	s20 =	sshra.s32 s20, $0x2  }
0x32: {  	[tilespmem:s20+$0x5000] =	vst v1;
	s19 =	simm.s32 $0x2800  }
0x33: {  	[spmem:s2] =	stream.indirect.scatter.add.f32 [tilespmem:s13], [sflag:$0x1], $0x10, s19, s16, $0xb8;
	[tilespmem:$0x9000] =	vst v63  }
0x34: {  	s19 =	simm.s32 $0x200;
	_ =	swait.ge [sflag:s14], $0x800  }
.LBB2_6:
0x35: {  	s20 =	sshra.s32 s19, $0x2;
	[sflag:s14] =	ssyncset.done $0x0;
	p0 =	sne.s32 s19, $0x9E00  }
.Ltmp2:
0x36: {  	s20 =	sadd.s32 $0x2800, s20;
	[sflag:s14] =	ssyncadd.s32 $0xFFFFF800;
	(pc) =	sbr.rel @p0 .LBB2_6-.Ltmp2, $3  }
0x37: {  	[spmem:s2] =	stream.indirect.scatter.add.f32 [tilespmem:s13], [sflag:$0x1], $0x10, s20, s16, $0xb8;
	[tilespmem:$0x9000] =	vst v63  }
0x38: {  	s19 =	sadd.s32 $0x200, s19;
	_ =	sdelay $0x1  }
0x39: {  	_ =	swait.ge [sflag:s14], $0x800  }
0x3a: {  	[sflag:s14] =	ssyncset.done $0x0  }
0x3b: {  	s19 =	simm.s32 $0x0;
	[sflag:s14] =	ssyncadd.s32 $0xFFFFF800  }
0x3c: {  	[tilespmem:s15], [sflag:$0x1] =	stream.linear.gather [hbm4b:s10+s19], $0x2800, $0x38;
	[tilespmem:$0x9000] =	vst v63  }
0x3d: {  	_ =	swait.ge [sflag:s14], $0x2800  }
0x3e: {  	[sflag:s14] =	ssyncset.done $0x0  }
0x3f: {  	s20 =	simm.s32 $0x0;
	s19 =	simm.s32 $0x200;
	[sflag:s14] =	ssyncadd.s32 $0xFFFFD800  }
.LBB2_8:
0x40: {  	p0 =	sne.s32 s19, $0xFE00;
	[tilespmem:s20+$0x5000] =	vst v2;
	s20 =	smov.u32 s19;
	s19 =	sadd.s32 $0x200, s19  }
.Ltmp3:
0x41: {  	(pc) =	sbr.rel @p0 .LBB2_8-.Ltmp3, $2  }
0x42: {  	_ =	sdelay $0x2  }
0x43: {  	s20 =	sshra.s32 s20, $0x2  }
0x44: {  	[tilespmem:s20+$0x5000] =	vst v2;
	s19 =	simm.s32 $0x2800  }
0x45: {  	[spmem:s2] =	stream.indirect.scatter.add.f32 [tilespmem:s13], [sflag:$0x1], $0x10, s19, s16, $0xb8;
	[tilespmem:$0x9000] =	vst v63  }
0x46: {  	s19 =	simm.s32 $0x200;
	_ =	swait.ge [sflag:s14], $0x800  }
.LBB2_10:
0x47: {  	s20 =	sshra.s32 s19, $0x2;
	[sflag:s14] =	ssyncset.done $0x0;
	p0 =	sne.s32 s19, $0x9E00  }
.Ltmp4:
0x48: {  	s20 =	sadd.s32 $0x2800, s20;
	[sflag:s14] =	ssyncadd.s32 $0xFFFFF800;
	(pc) =	sbr.rel @p0 .LBB2_10-.Ltmp4, $3  }
0x49: {  	[spmem:s2] =	stream.indirect.scatter.add.f32 [tilespmem:s13], [sflag:$0x1], $0x10, s20, s16, $0xb8;
	[tilespmem:$0x9000] =	vst v63  }
0x4a: {  	s19 =	sadd.s32 $0x200, s19;
	_ =	sdelay $0x1  }
0x4b: {  	_ =	swait.ge [sflag:s14], $0x800  }
0x4c: {  	[sflag:s14] =	ssyncset.done $0x0;
	s3 =	sadd.s32 $0x1, s3  }
0x4d: {  	[sflag:s14] =	ssyncadd.s32 $0xFFFFF800;
	p0 =	sne.s32 s3, s12  }
.Ltmp5:
0x4e: {  	[bflag:$0x0] =	sbarrier.arrive $0xFFFF;
	(pc) =	sbr.rel @p0 .LBB2_1-.Ltmp5, $4  }
0x4f: {  	[hbm:s11], [sflag:s17] =	dma.local [spmem:s18], $0x2800  }
0x50: {  	_ =	swait.ge [sflag:s14], $0x2800  }
0x51: {  	[sflag:s14] =	ssyncset.done $0x0  }
0x52: {  	[sflag:s14] =	ssyncadd.s32 $0xFFFFD800  }
0x53: {  	_ =	sfence.sel $0x180000  }
0x54: {  	[bflag:$0x0] =	sbarrier.arrive $0xFFFF  }
0x55: {  	p0 =	sne.s32 s0, $0x0;
	_ =	strace $0x90000047  }
0x56: {  	s0 =	sadd.s32 @!p0 $0x100000, s1;
	[bflag:$0x2] =	sbarrier.arrive $0xFFFF  }
0x57: {  	[sflag:s0] =	ssyncadd.tile.s32 @!p0 $0x1;
	_ =	shalt  }
.Lfunc_end2:
_tile_overlayer_lowered:
.L_overlay_start_2:
0x58: {  	(tag) =	ssettag $0x2  }
0x59: {  	s0 =	rddreg [dreg:$0x0];
	s2 =	stileid.u32  }
0x5a: {  	s1 =	rddreg [dreg:$0x1];
	p0 =	sne.s32 s2, $0x0  }
0x5b: {  	s3 =	rddreg [dreg:$0x2];
	[bflag:$0x3] =	sbarrier.arrive $0xFFFF;
	s2 =	simm.s32 @!p0 $0x1C01  }
0x5c: {  	[timem:s3], [sflag:s2] =	dma.local @!p0 [hbm:s0], s1  }
0x5d: {  	s0 =	simm.s32 @!p0 $0x1  }
0x5e: {  	_ =	swait.ge @!p0 [sflag:s0], s1  }
0x5f: {  	s1 =	ssub.s32 @!p0 $0x0, s1;
	[sflag:s0] =	ssyncset.done @!p0 $0x0  }
0x60: {  	[sflag:s0] =	ssyncadd.s32 @!p0 s1  }
0x61: {  	[bflag:$0x3] =	sbarrier.arrive $0xFFFF  }
0x62: {  	_ =	shalt  }

</sc_bundles>
